<compile_context>
chip_gen: v7x
topology: tpu7x:2x2x1
jax: 0.10.2.dev20260603
libtpu: 0.0.44.dev20260713+nightly
codegen_flags: <defaults>
</compile_context>

<pallas_src>
import functools

import jax
import jax.numpy as jnp
from jax.experimental import pallas as pl
from jax.experimental.pallas import tpu as pltpu
from jax.experimental.pallas import tpu_sc as plsc

RATE = 0.7
ALPHA = 0.8
BETA = 1.2

SC_GROUP = 8
SC_NBUF = 16
SC_WORKERS_PER_ROW = 8


def _tc_sum_kernel(x_ref, o_ref, acc_ref, *, n_chunks):
    ci = pl.program_id(0)

    @pl.when(ci == 0)
    def _init():
        acc_ref[...] = jnp.zeros_like(acc_ref)

    acc_ref[...] += jnp.sum(x_ref[...], axis=1)

    @pl.when(ci == n_chunks - 1)
    def _finish():
        o_ref[...] = acc_ref[...]


def _sc_sum_body(x_hbm, out_hbm, buf_v, acc_v, sems, *, b, c0, c, chunk, nvec):
    cid = jax.lax.axis_index("c")
    sid = jax.lax.axis_index("s")
    wid = sid * 2 + cid
    bid = wid // SC_WORKERS_PER_ROW
    col0 = (wid % SC_WORKERS_PER_ROW) * chunk
    n_groups = (c - c0) // SC_GROUP

    @pl.when(bid < b)
    def _worker():
        _sc_sum_work(
            x_hbm, out_hbm, buf_v, acc_v, sems, bid, col0,
            c0=c0, c=c, chunk=chunk, nvec=nvec, n_groups=n_groups,
        )


def _sc_sum_work(
    x_hbm, out_hbm, buf_v, acc_v, sems, bid, col0,
    *, c0, c, chunk, nvec, n_groups
):

    def dma(ch, slot):
        return pltpu.make_async_copy(
            x_hbm.at[bid, ch, pl.ds(col0, chunk)],
            buf_v.at[slot],
            sems.at[slot],
        )

    def issue_group(g):
        base = jax.lax.rem(g, 2) * SC_GROUP
        for t in range(SC_GROUP):
            dma(c0 + g * SC_GROUP + t, base + t).start()

    issue_group(0)
    issue_group(1)

    def zbody(i, carry):
        acc_v[pl.ds(i * 16, 16)] = jnp.zeros((16,), jnp.float32)
        return carry

    jax.lax.fori_loop(0, nvec, zbody, 0)

    def gbody(g, carry):
        base = jax.lax.rem(g, 2) * SC_GROUP
        for t in range(SC_GROUP):
            dma(c0 + g * SC_GROUP + t, base + t).wait()

        def abody(i, carry):
            sl = pl.ds(i * 16, 16)
            s = acc_v[sl]
            for t in range(SC_GROUP):
                s = s + buf_v[base + t, sl]
            acc_v[sl] = s
            return carry

        jax.lax.fori_loop(0, nvec, abody, 0)

        @pl.when(g + 2 < n_groups)
        def _():
            issue_group(g + 2)

        return carry

    jax.lax.fori_loop(0, n_groups, gbody, 0)
    pltpu.sync_copy(acc_v, out_hbm.at[bid, pl.ds(col0, chunk)])


def _select_kernel(a_ref, b_ref, o_ref, *, k):
    h = a_ref[...] + b_ref[...]
    i32 = jax.lax.bitcast_convert_type(h, jnp.int32)
    key = jnp.where(i32 < 0, i32 ^ 0x7FFFFFFF, i32)
    ukey = jax.lax.bitcast_convert_type(key, jnp.uint32) ^ jnp.uint32(0x80000000)

    def body(t, T):
        bit = jnp.uint32(31 - t)
        cand = T | (jnp.uint32(1) << bit)
        cnt = jnp.sum((ukey >= cand).astype(jnp.int32), axis=1, keepdims=True)
        return jnp.where(cnt >= k, cand, T)

    T = jax.lax.fori_loop(0, 32, body, jnp.zeros((h.shape[0], 1), jnp.uint32))

    kk = jax.lax.bitcast_convert_type(T ^ jnp.uint32(0x80000000), jnp.int32)
    iv = jnp.where(kk < 0, kk ^ 0x7FFFFFFF, kk)
    v = jax.lax.bitcast_convert_type(iv, jnp.float32)
    o_ref[...] = jnp.where(h >= v, jnp.float32(ALPHA), jnp.float32(BETA))


def kernel(inputs):
    b, c, h, w = inputs.shape
    hw = h * w
    lanes = 128
    rows = hw // lanes
    k = int(RATE * hw)
    cc = 16
    csc = 2 * SC_GROUP if c >= 768 else max(2 * SC_GROUP, (c // 3) & ~(SC_GROUP - 1))
    c0 = (c - csc) // cc * cc
    n_chunks = c0 // cc
    chunk = hw // SC_WORKERS_PER_ROW
    nvec = chunk // 16

    x = inputs.reshape(b, c, rows, lanes)
    tc_sum = pl.pallas_call(
        functools.partial(_tc_sum_kernel, n_chunks=n_chunks),
        grid=(n_chunks,),
        in_specs=[pl.BlockSpec((b, cc, rows, lanes), lambda j: (0, j, 0, 0))],
        out_specs=pl.BlockSpec((b, rows, lanes), lambda j: (0, 0, 0)),
        out_shape=jax.ShapeDtypeStruct((b, rows, lanes), jnp.float32),
        scratch_shapes=[pltpu.VMEM((b, rows, lanes), jnp.float32)],
    )(x)

    sc_fn = pl.kernel(
        functools.partial(_sc_sum_body, b=b, c0=c0, c=c, chunk=chunk, nvec=nvec),
        out_type=jax.ShapeDtypeStruct((b, hw), jnp.float32),
        mesh=plsc.VectorSubcoreMesh(core_axis_name="c", subcore_axis_name="s"),
        scratch_types=[
            pltpu.VMEM((SC_NBUF, chunk), jnp.float32),
            pltpu.VMEM((chunk,), jnp.float32),
            pltpu.SemaphoreType.DMA((SC_NBUF,)),
        ],
    )
    sc_sum = sc_fn(inputs.reshape(b, c, hw))

    out = pl.pallas_call(
        functools.partial(_select_kernel, k=k),
        in_specs=[
            pl.BlockSpec((b, hw), lambda: (0, 0)),
            pl.BlockSpec((b, hw), lambda: (0, 0)),
        ],
        out_specs=pl.BlockSpec((b, hw), lambda: (0, 0)),
        out_shape=jax.ShapeDtypeStruct((b, hw), jnp.float32),
    )(tc_sum.reshape(b, hw), sc_sum)
    return out.reshape(b, 1, h, w)

# --- scband reference (transcript-rebuilt; emitter-appended) ---
"""Pipeline reference for scband-spatia-restrain-43361989820657 (READ-ONLY COPY).

The authoritative reference and input builder live on the scoring server;
editing this copy changes nothing except your own understanding.
"""

import jax, jax.numpy as jnp
import numpy as np

RATE = 0.7
ALPHA = 0.8
BETA = 1.2


def setup_inputs(seed: int = 0) -> dict:
    key = jax.random.key(seed)
    inputs = jax.random.normal(key, (4, 768, 224, 224), dtype=jnp.float32)
    return {"inputs": inputs}


def reference(inputs):
    b, c, h, w = inputs.shape
    # heatmap: mean over channel dim -> [b, h*w]
    heatmap = jnp.mean(inputs, axis=1).reshape(b, h * w)
    k = int(RATE * h * w)
    # top-k per row (sorted=False in torch just means unordered; values set identical)
    top_vals, _ = jax.lax.top_k(heatmap, k)
    # min over the top-k values == k-th largest value -> [b, 1]
    heatmap_gap = jnp.min(top_vals, axis=1).reshape(b, 1)
    mask = (heatmap >= heatmap_gap).astype(jnp.float32).reshape(b, 1, h, w)
    mask = mask * ALPHA + (1.0 - mask) * BETA
    return mask

if __name__ == "__main__":
    import jax
    _d = setup_inputs()
    print(jax.jit(kernel)(*tuple(_d.values())))

</pallas_src>

<mosaic_0001>
#map = affine_map<(d0, d1) -> (0, 0, 0)>
#map1 = affine_map<(d0, d1) -> (0, 0)>
module attributes {stable_mosaic.version = 14 : i64} {
  func.func @_sc_sum_body(%arg0: i32, %arg1: i32, %arg2: memref<4x768x50176xf32, #tpu.memory_space<hbm>>, %arg3: memref<4x50176xf32, #tpu.memory_space<hbm>>, %arg4: memref<16x6272xf32, #tpu.memory_space<vmem>>, %arg5: memref<6272xf32, #tpu.memory_space<vmem>>, %arg6: memref<16x!tpu.dma_semaphore, #tpu.memory_space<semaphore_mem>>) attributes {dimension_semantics = [#tpu.dimension_semantics<core_parallel>, #tpu.dimension_semantics<subcore_parallel>], iteration_bounds = array<i64: 2, 16>, scalar_prefetch = 0 : i64, scratch_operands = 3 : i64, tpu.core_type = #tpu.core_type<sc_vector_subcore>, window_params = [{transform_indices = #map}, {transform_indices = #map1}]} {
    %mul3A = arith.constant 2 : i32
    %mul3A_0 = arith.muli %arg1, %mul3A : i32
    %add3A = arith.addi %mul3A_0, %arg0 : i32
    %jit3A = arith.constant 8 : i32
    %div3A = arith.divsi %add3A, %jit3A : i32
    %sign3A = arith.constant 0 : i32
    %sign3A_1 = arith.cmpi sgt, %add3A, %sign3A : i32
    %sign3A_2 = arith.extui %sign3A_1 : i1 to i32
    %sign3A_3 = arith.constant 0 : i32
    %sign3A_4 = arith.cmpi slt, %add3A, %sign3A_3 : i32
    %sign3A_5 = arith.extui %sign3A_4 : i1 to i32
    %sign3A_6 = arith.subi %sign3A_2, %sign3A_5 : i32
    %sign3A_7 = arith.constant 0 : i32
    %sign3A_8 = arith.cmpi sgt, %jit3A, %sign3A_7 : i32
    %sign3A_9 = arith.extui %sign3A_8 : i1 to i32
    %sign3A_10 = arith.constant 0 : i32
    %sign3A_11 = arith.cmpi slt, %jit3A, %sign3A_10 : i32
    %sign3A_12 = arith.extui %sign3A_11 : i1 to i32
    %sign3A_13 = arith.subi %sign3A_9, %sign3A_12 : i32
    %ne3A = arith.cmpi ne, %sign3A_6, %sign3A_13 : i32
    %rem3A = arith.remsi %add3A, %jit3A : i32
    %ne3A_14 = arith.constant 0 : i32
    %ne3A_15 = arith.cmpi ne, %rem3A, %ne3A_14 : i32
    %and3A = arith.andi %ne3A, %ne3A_15 : i1
    %sub3A = arith.constant 1 : i32
    %sub3A_16 = arith.subi %div3A, %sub3A : i32
    %select_n3A = arith.select %and3A, %sub3A_16, %div3A : i32
    %jit3A_17 = arith.constant 8 : i32
    %eq3A = arith.constant 0 : i32
    %eq3A_18 = arith.cmpi eq, %jit3A_17, %eq3A : i32
    %jit3A_19 = arith.constant 1 : i32
    %select_n3A_20 = arith.select %eq3A_18, %jit3A_19, %jit3A_17 : i32
    %rem3A_21 = arith.remsi %add3A, %select_n3A_20 : i32
    %ne3A_22 = arith.constant 0 : i32
    %ne3A_23 = arith.cmpi ne, %rem3A_21, %ne3A_22 : i32
    %lt3A = arith.constant 0 : i32
    %lt3A_24 = arith.cmpi slt, %rem3A_21, %lt3A : i32
    %lt3A_25 = arith.constant 0 : i32
    %lt3A_26 = arith.cmpi slt, %select_n3A_20, %lt3A_25 : i32
    %ne3A_27 = arith.xori %lt3A_24, %lt3A_26 : i1
    %and3A_28 = arith.andi %ne3A_27, %ne3A_23 : i1
    %add3A_29 = arith.addi %rem3A_21, %select_n3A_20 : i32
    %select_n3A_30 = arith.select %and3A_28, %add3A_29, %rem3A_21 : i32
    %mul3A_31 = arith.constant 6272 : i32
    %mul3A_32 = arith.muli %select_n3A_30, %mul3A_31 : i32
    %lt3A_33 = arith.constant 4 : i32
    %lt3A_34 = arith.cmpi slt, %select_n3A, %lt3A_33 : i32
    %convert_element_type3A = arith.extui %lt3A_34 : i1 to i32
    %cond3A = arith.constant 0 : i32
    %cond3A_35 = arith.cmpi ne, %convert_element_type3A, %cond3A : i32
    scf.if %cond3A_35 {
      %rem3A_36 = arith.constant 0 : i32
      %rem3A_37 = arith.constant 2 : i32
      %rem3A_38 = arith.remsi %rem3A_36, %rem3A_37 : i32
      %mul3A_39 = arith.constant 8 : i32
      %mul3A_40 = arith.muli %rem3A_38, %mul3A_39 : i32
      %add3A_41 = arith.constant 0 : i32
      %add3A_42 = arith.addi %mul3A_40, %add3A_41 : i32
      %dma_start3A = arith.constant 752 : i32
      %dma_start3A_43 = arith.constant 0 : i32
      %dma_start3A_44 = tpu.memref_slice %arg4[%add3A_42, %dma_start3A_43] : memref<16x6272xf32, #tpu.memory_space<vmem>> -> memref<1x6272xf32, #tpu.memory_space<vmem>>
      %dma_start3A_45 = tpu.memref_squeeze %dma_start3A_44 : memref<1x6272xf32, #tpu.memory_space<vmem>> -> memref<6272xf32, #tpu.memory_space<vmem>>
      %dma_start3A_46 = tpu.memref_slice %arg2[%select_n3A, %dma_start3A, %mul3A_32] : memref<4x768x50176xf32, #tpu.memory_space<hbm>> -> memref<1x1x6272xf32, #tpu.memory_space<hbm>>
      %dma_start3A_47 = tpu.memref_squeeze %dma_start3A_46 : memref<1x1x6272xf32, #tpu.memory_space<hbm>> -> memref<6272xf32, #tpu.memory_space<hbm>>
      %dma_start3A_48 = tpu.memref_slice %arg6[%add3A_42] : memref<16x!tpu.dma_semaphore, #tpu.memory_space<semaphore_mem>> -> memref<1x!tpu.dma_semaphore, #tpu.memory_space<semaphore_mem>>
      %dma_start3A_49 = tpu.memref_squeeze %dma_start3A_48 : memref<1x!tpu.dma_semaphore, #tpu.memory_space<semaphore_mem>> -> memref<!tpu.dma_semaphore, #tpu.memory_space<semaphore_mem>>
      %dma_start3A_50 = arith.constant 0 : i32
      %dma_start3A_51 = tpu.memref_slice %arg4[%add3A_42, %dma_start3A_50] : memref<16x6272xf32, #tpu.memory_space<vmem>> -> memref<1x6272xf32, #tpu.memory_space<vmem>>
      %dma_start3A_52 = tpu.memref_squeeze %dma_start3A_51 : memref<1x6272xf32, #tpu.memory_space<vmem>> -> memref<6272xf32, #tpu.memory_space<vmem>>
      %dma_start3A_53 = tpu.memref_slice %arg2[%select_n3A, %dma_start3A, %mul3A_32] : memref<4x768x50176xf32, #tpu.memory_space<hbm>> -> memref<1x1x6272xf32, #tpu.memory_space<hbm>>
      %dma_start3A_54 = tpu.memref_squeeze %dma_start3A_53 : memref<1x1x6272xf32, #tpu.memory_space<hbm>> -> memref<6272xf32, #tpu.memory_space<hbm>>
      tpu.enqueue_dma source(%dma_start3A_54 : memref<6272xf32, #tpu.memory_space<hbm>>) target(%dma_start3A_52 : memref<6272xf32, #tpu.memory_space<vmem>>) target_semaphore(%dma_start3A_49 : memref<!tpu.dma_semaphore, #tpu.memory_space<semaphore_mem>>)
      %add3A_55 = arith.constant 1 : i32
      %add3A_56 = arith.addi %mul3A_40, %add3A_55 : i32
      %dma_start3A_57 = arith.constant 753 : i32
      %dma_start3A_58 = arith.constant 0 : i32
      %dma_start3A_59 = tpu.memref_slice %arg4[%add3A_56, %dma_start3A_58] : memref<16x6272xf32, #tpu.memory_space<vmem>> -> memref<1x6272xf32, #tpu.memory_space<vmem>>
      %dma_start3A_60 = tpu.memref_squeeze %dma_start3A_59 : memref<1x6272xf32, #tpu.memory_space<vmem>> -> memref<6272xf32, #tpu.memory_space<vmem>>
      %dma_start3A_61 = tpu.memref_slice %arg2[%select_n3A, %dma_start3A_57, %mul3A_32] : memref<4x768x50176xf32, #tpu.memory_space<hbm>> -> memref<1x1x6272xf32, #tpu.memory_space<hbm>>
      %dma_start3A_62 = tpu.memref_squeeze %dma_start3A_61 : memref<1x1x6272xf32, #tpu.memory_space<hbm>> -> memref<6272xf32, #tpu.memory_space<hbm>>
      %dma_start3A_63 = tpu.memref_slice %arg6[%add3A_56] : memref<16x!tpu.dma_semaphore, #tpu.memory_space<semaphore_mem>> -> memref<1x!tpu.dma_semaphore, #tpu.memory_space<semaphore_mem>>
      %dma_start3A_64 = tpu.memref_squeeze %dma_start3A_63 : memref<1x!tpu.dma_semaphore, #tpu.memory_space<semaphore_mem>> -> memref<!tpu.dma_semaphore, #tpu.memory_space<semaphore_mem>>
      %dma_start3A_65 = arith.constant 0 : i32
      %dma_start3A_66 = tpu.memref_slice %arg4[%add3A_56, %dma_start3A_65] : memref<16x6272xf32, #tpu.memory_space<vmem>> -> memref<1x6272xf32, #tpu.memory_space<vmem>>
      %dma_start3A_67 = tpu.memref_squeeze %dma_start3A_66 : memref<1x6272xf32, #tpu.memory_space<vmem>> -> memref<6272xf32, #tpu.memory_space<vmem>>
      %dma_start3A_68 = tpu.memref_slice %arg2[%select_n3A, %dma_start3A_57, %mul3A_32] : memref<4x768x50176xf32, #tpu.memory_space<hbm>> -> memref<1x1x6272xf32, #tpu.memory_space<hbm>>
      %dma_start3A_69 = tpu.memref_squeeze %dma_start3A_68 : memref<1x1x6272xf32, #tpu.memory_space<hbm>> -> memref<6272xf32, #tpu.memory_space<hbm>>
      tpu.enqueue_dma source(%dma_start3A_69 : memref<6272xf32, #tpu.memory_space<hbm>>) target(%dma_start3A_67 : memref<6272xf32, #tpu.memory_space<vmem>>) target_semaphore(%dma_start3A_64 : memref<!tpu.dma_semaphore, #tpu.memory_space<semaphore_mem>>)
      %add3A_70 = arith.constant 2 : i32
      %add3A_71 = arith.addi %mul3A_40, %add3A_70 : i32
      %dma_start3A_72 = arith.constant 754 : i32
      %dma_start3A_73 = arith.constant 0 : i32
      %dma_start3A_74 = tpu.memref_slice %arg4[%add3A_71, %dma_start3A_73] : memref<16x6272xf32, #tpu.memory_space<vmem>> -> memref<1x6272xf32, #tpu.memory_space<vmem>>
      %dma_start3A_75 = tpu.memref_squeeze %dma_start3A_74 : memref<1x6272xf32, #tpu.memory_space<vmem>> -> memref<6272xf32, #tpu.memory_space<vmem>>
      %dma_start3A_76 = tpu.memref_slice %arg2[%select_n3A, %dma_start3A_72, %mul3A_32] : memref<4x768x50176xf32, #tpu.memory_space<hbm>> -> memref<1x1x6272xf32, #tpu.memory_space<hbm>>
      %dma_start3A_77 = tpu.memref_squeeze %dma_start3A_76 : memref<1x1x6272xf32, #tpu.memory_space<hbm>> -> memref<6272xf32, #tpu.memory_space<hbm>>
      %dma_start3A_78 = tpu.memref_slice %arg6[%add3A_71] : memref<16x!tpu.dma_semaphore, #tpu.memory_space<semaphore_mem>> -> memref<1x!tpu.dma_semaphore, #tpu.memory_space<semaphore_mem>>
      %dma_start3A_79 = tpu.memref_squeeze %dma_start3A_78 : memref<1x!tpu.dma_semaphore, #tpu.memory_space<semaphore_mem>> -> memref<!tpu.dma_semaphore, #tpu.memory_space<semaphore_mem>>
      %dma_start3A_80 = arith.constant 0 : i32
      %dma_start3A_81 = tpu.memref_slice %arg4[%add3A_71, %dma_start3A_80] : memref<16x6272xf32, #tpu.memory_space<vmem>> -> memref<1x6272xf32, #tpu.memory_space<vmem>>
      %dma_start3A_82 = tpu.memref_squeeze %dma_start3A_81 : memref<1x6272xf32, #tpu.memory_space<vmem>> -> memref<6272xf32, #tpu.memory_space<vmem>>
      %dma_start3A_83 = tpu.memref_slice %arg2[%select_n3A, %dma_start3A_72, %mul3A_32] : memref<4x768x50176xf32, #tpu.memory_space<hbm>> -> memref<1x1x6272xf32, #tpu.memory_space<hbm>>
      %dma_start3A_84 = tpu.memref_squeeze %dma_start3A_83 : memref<1x1x6272xf32, #tpu.memory_space<hbm>> -> memref<6272xf32, #tpu.memory_space<hbm>>
      tpu.enqueue_dma source(%dma_start3A_84 : memref<6272xf32, #tpu.memory_space<hbm>>) target(%dma_start3A_82 : memref<6272xf32, #tpu.memory_space<vmem>>) target_semaphore(%dma_start3A_79 : memref<!tpu.dma_semaphore, #tpu.memory_space<semaphore_mem>>)
      %add3A_85 = arith.constant 3 : i32
      %add3A_86 = arith.addi %mul3A_40, %add3A_85 : i32
      %dma_start3A_87 = arith.constant 755 : i32
      %dma_start3A_88 = arith.constant 0 : i32
      %dma_start3A_89 = tpu.memref_slice %arg4[%add3A_86, %dma_start3A_88] : memref<16x6272xf32, #tpu.memory_space<vmem>> -> memref<1x6272xf32, #tpu.memory_space<vmem>>
      %dma_start3A_90 = tpu.memref_squeeze %dma_start3A_89 : memref<1x6272xf32, #tpu.memory_space<vmem>> -> memref<6272xf32, #tpu.memory_space<vmem>>
      %dma_start3A_91 = tpu.memref_slice %arg2[%select_n3A, %dma_start3A_87, %mul3A_32] : memref<4x768x50176xf32, #tpu.memory_space<hbm>> -> memref<1x1x6272xf32, #tpu.memory_space<hbm>>
      %dma_start3A_92 = tpu.memref_squeeze %dma_start3A_91 : memref<1x1x6272xf32, #tpu.memory_space<hbm>> -> memref<6272xf32, #tpu.memory_space<hbm>>
      %dma_start3A_93 = tpu.memref_slice %arg6[%add3A_86] : memref<16x!tpu.dma_semaphore, #tpu.memory_space<semaphore_mem>> -> memref<1x!tpu.dma_semaphore, #tpu.memory_space<semaphore_mem>>
      %dma_start3A_94 = tpu.memref_squeeze %dma_start3A_93 : memref<1x!tpu.dma_semaphore, #tpu.memory_space<semaphore_mem>> -> memref<!tpu.dma_semaphore, #tpu.memory_space<semaphore_mem>>
      %dma_start3A_95 = arith.constant 0 : i32
      %dma_start3A_96 = tpu.memref_slice %arg4[%add3A_86, %dma_start3A_95] : memref<16x6272xf32, #tpu.memory_space<vmem>> -> memref<1x6272xf32, #tpu.memory_space<vmem>>
      %dma_start3A_97 = tpu.memref_squeeze %dma_start3A_96 : memref<1x6272xf32, #tpu.memory_space<vmem>> -> memref<6272xf32, #tpu.memory_space<vmem>>
      %dma_start3A_98 = tpu.memref_slice %arg2[%select_n3A, %dma_start3A_87, %mul3A_32] : memref<4x768x50176xf32, #tpu.memory_space<hbm>> -> memref<1x1x6272xf32, #tpu.memory_space<hbm>>
      %dma_start3A_99 = tpu.memref_squeeze %dma_start3A_98 : memref<1x1x6272xf32, #tpu.memory_space<hbm>> -> memref<6272xf32, #tpu.memory_space<hbm>>
      tpu.enqueue_dma source(%dma_start3A_99 : memref<6272xf32, #tpu.memory_space<hbm>>) target(%dma_start3A_97 : memref<6272xf32, #tpu.memory_space<vmem>>) target_semaphore(%dma_start3A_94 : memref<!tpu.dma_semaphore, #tpu.memory_space<semaphore_mem>>)
      %add3A_100 = arith.constant 4 : i32
      %add3A_101 = arith.addi %mul3A_40, %add3A_100 : i32
      %dma_start3A_102 = arith.constant 756 : i32
      %dma_start3A_103 = arith.constant 0 : i32
      %dma_start3A_104 = tpu.memref_slice %arg4[%add3A_101, %dma_start3A_103] : memref<16x6272xf32, #tpu.memory_space<vmem>> -> memref<1x6272xf32, #tpu.memory_space<vmem>>
      %dma_start3A_105 = tpu.memref_squeeze %dma_start3A_104 : memref<1x6272xf32, #tpu.memory_space<vmem>> -> memref<6272xf32, #tpu.memory_space<vmem>>
      %dma_start3A_106 = tpu.memref_slice %arg2[%select_n3A, %dma_start3A_102, %mul3A_32] : memref<4x768x50176xf32, #tpu.memory_space<hbm>> -> memref<1x1x6272xf32, #tpu.memory_space<hbm>>
      %dma_start3A_107 = tpu.memref_squeeze %dma_start3A_106 : memref<1x1x6272xf32, #tpu.memory_space<hbm>> -> memref<6272xf32, #tpu.memory_space<hbm>>
      %dma_start3A_108 = tpu.memref_slice %arg6[%add3A_101] : memref<16x!tpu.dma_semaphore, #tpu.memory_space<semaphore_mem>> -> memref<1x!tpu.dma_semaphore, #tpu.memory_space<semaphore_mem>>
      %dma_start3A_109 = tpu.memref_squeeze %dma_start3A_108 : memref<1x!tpu.dma_semaphore, #tpu.memory_space<semaphore_mem>> -> memref<!tpu.dma_semaphore, #tpu.memory_space<semaphore_mem>>
      %dma_start3A_110 = arith.constant 0 : i32
      %dma_start3A_111 = tpu.memref_slice %arg4[%add3A_101, %dma_start3A_110] : memref<16x6272xf32, #tpu.memory_space<vmem>> -> memref<1x6272xf32, #tpu.memory_space<vmem>>
      %dma_start3A_112 = tpu.memref_squeeze %dma_start3A_111 : memref<1x6272xf32, #tpu.memory_space<vmem>> -> memref<6272xf32, #tpu.memory_space<vmem>>
      %dma_start3A_113 = tpu.memref_slice %arg2[%select_n3A, %dma_start3A_102, %mul3A_32] : memref<4x768x50176xf32, #tpu.memory_space<hbm>> -> memref<1x1x6272xf32, #tpu.memory_space<hbm>>
      %dma_start3A_114 = tpu.memref_squeeze %dma_start3A_113 : memref<1x1x6272xf32, #tpu.memory_space<hbm>> -> memref<6272xf32, #tpu.memory_space<hbm>>
      tpu.enqueue_dma source(%dma_start3A_114 : memref<6272xf32, #tpu.memory_space<hbm>>) target(%dma_start3A_112 : memref<6272xf32, #tpu.memory_space<vmem>>) target_semaphore(%dma_start3A_109 : memref<!tpu.dma_semaphore, #tpu.memory_space<semaphore_mem>>)
      %add3A_115 = arith.constant 5 : i32
      %add3A_116 = arith.addi %mul3A_40, %add3A_115 : i32
      %dma_start3A_117 = arith.constant 757 : i32
      %dma_start3A_118 = arith.constant 0 : i32
      %dma_start3A_119 = tpu.memref_slice %arg4[%add3A_116, %dma_start3A_118] : memref<16x6272xf32, #tpu.memory_space<vmem>> -> memref<1x6272xf32, #tpu.memory_space<vmem>>
      %dma_start3A_120 = tpu.memref_squeeze %dma_start3A_119 : memref<1x6272xf32, #tpu.memory_space<vmem>> -> memref<6272xf32, #tpu.memory_space<vmem>>
      %dma_start3A_121 = tpu.memref_slice %arg2[%select_n3A, %dma_start3A_117, %mul3A_32] : memref<4x768x50176xf32, #tpu.memory_space<hbm>> -> memref<1x1x6272xf32, #tpu.memory_space<hbm>>
      %dma_start3A_122 = tpu.memref_squeeze %dma_start3A_121 : memref<1x1x6272xf32, #tpu.memory_space<hbm>> -> memref<6272xf32, #tpu.memory_space<hbm>>
      %dma_start3A_123 = tpu.memref_slice %arg6[%add3A_116] : memref<16x!tpu.dma_semaphore, #tpu.memory_space<semaphore_mem>> -> memref<1x!tpu.dma_semaphore, #tpu.memory_space<semaphore_mem>>
      %dma_start3A_124 = tpu.memref_squeeze %dma_start3A_123 : memref<1x!tpu.dma_semaphore, #tpu.memory_space<semaphore_mem>> -> memref<!tpu.dma_semaphore, #tpu.memory_space<semaphore_mem>>
      %dma_start3A_125 = arith.constant 0 : i32
      %dma_start3A_126 = tpu.memref_slice %arg4[%add3A_116, %dma_start3A_125] : memref<16x6272xf32, #tpu.memory_space<vmem>> -> memref<1x6272xf32, #tpu.memory_space<vmem>>
      %dma_start3A_127 = tpu.memref_squeeze %dma_start3A_126 : memref<1x6272xf32, #tpu.memory_space<vmem>> -> memref<6272xf32, #tpu.memory_space<vmem>>
      %dma_start3A_128 = tpu.memref_slice %arg2[%select_n3A, %dma_start3A_117, %mul3A_32] : memref<4x768x50176xf32, #tpu.memory_space<hbm>> -> memref<1x1x6272xf32, #tpu.memory_space<hbm>>
      %dma_start3A_129 = tpu.memref_squeeze %dma_start3A_128 : memref<1x1x6272xf32, #tpu.memory_space<hbm>> -> memref<6272xf32, #tpu.memory_space<hbm>>
      tpu.enqueue_dma source(%dma_start3A_129 : memref<6272xf32, #tpu.memory_space<hbm>>) target(%dma_start3A_127 : memref<6272xf32, #tpu.memory_space<vmem>>) target_semaphore(%dma_start3A_124 : memref<!tpu.dma_semaphore, #tpu.memory_space<semaphore_mem>>)
      %add3A_130 = arith.constant 6 : i32
      %add3A_131 = arith.addi %mul3A_40, %add3A_130 : i32
      %dma_start3A_132 = arith.constant 758 : i32
      %dma_start3A_133 = arith.constant 0 : i32
      %dma_start3A_134 = tpu.memref_slice %arg4[%add3A_131, %dma_start3A_133] : memref<16x6272xf32, #tpu.memory_space<vmem>> -> memref<1x6272xf32, #tpu.memory_space<vmem>>
      %dma_start3A_135 = tpu.memref_squeeze %dma_start3A_134 : memref<1x6272xf32, #tpu.memory_space<vmem>> -> memref<6272xf32, #tpu.memory_space<vmem>>
      %dma_start3A_136 = tpu.memref_slice %arg2[%select_n3A, %dma_start3A_132, %mul3A_32] : memref<4x768x50176xf32, #tpu.memory_space<hbm>> -> memref<1x1x6272xf32, #tpu.memory_space<hbm>>
      %dma_start3A_137 = tpu.memref_squeeze %dma_start3A_136 : memref<1x1x6272xf32, #tpu.memory_space<hbm>> -> memref<6272xf32, #tpu.memory_space<hbm>>
      %dma_start3A_138 = tpu.memref_slice %arg6[%add3A_131] : memref<16x!tpu.dma_semaphore, #tpu.memory_space<semaphore_mem>> -> memref<1x!tpu.dma_semaphore, #tpu.memory_space<semaphore_mem>>
      %dma_start3A_139 = tpu.memref_squeeze %dma_start3A_138 : memref<1x!tpu.dma_semaphore, #tpu.memory_space<semaphore_mem>> -> memref<!tpu.dma_semaphore, #tpu.memory_space<semaphore_mem>>
      %dma_start3A_140 = arith.constant 0 : i32
      %dma_start3A_141 = tpu.memref_slice %arg4[%add3A_131, %dma_start3A_140] : memref<16x6272xf32, #tpu.memory_space<vmem>> -> memref<1x6272xf32, #tpu.memory_space<vmem>>
      %dma_start3A_142 = tpu.memref_squeeze %dma_start3A_141 : memref<1x6272xf32, #tpu.memory_space<vmem>> -> memref<6272xf32, #tpu.memory_space<vmem>>
      %dma_start3A_143 = tpu.memref_slice %arg2[%select_n3A, %dma_start3A_132, %mul3A_32] : memref<4x768x50176xf32, #tpu.memory_space<hbm>> -> memref<1x1x6272xf32, #tpu.memory_space<hbm>>
      %dma_start3A_144 = tpu.memref_squeeze %dma_start3A_143 : memref<1x1x6272xf32, #tpu.memory_space<hbm>> -> memref<6272xf32, #tpu.memory_space<hbm>>
      tpu.enqueue_dma source(%dma_start3A_144 : memref<6272xf32, #tpu.memory_space<hbm>>) target(%dma_start3A_142 : memref<6272xf32, #tpu.memory_space<vmem>>) target_semaphore(%dma_start3A_139 : memref<!tpu.dma_semaphore, #tpu.memory_space<semaphore_mem>>)
      %add3A_145 = arith.constant 7 : i32
      %add3A_146 = arith.addi %mul3A_40, %add3A_145 : i32
      %dma_start3A_147 = arith.constant 759 : i32
      %dma_start3A_148 = arith.constant 0 : i32
      %dma_start3A_149 = tpu.memref_slice %arg4[%add3A_146, %dma_start3A_148] : memref<16x6272xf32, #tpu.memory_space<vmem>> -> memref<1x6272xf32, #tpu.memory_space<vmem>>
      %dma_start3A_150 = tpu.memref_squeeze %dma_start3A_149 : memref<1x6272xf32, #tpu.memory_space<vmem>> -> memref<6272xf32, #tpu.memory_space<vmem>>
      %dma_start3A_151 = tpu.memref_slice %arg2[%select_n3A, %dma_start3A_147, %mul3A_32] : memref<4x768x50176xf32, #tpu.memory_space<hbm>> -> memref<1x1x6272xf32, #tpu.memory_space<hbm>>
      %dma_start3A_152 = tpu.memref_squeeze %dma_start3A_151 : memref<1x1x6272xf32, #tpu.memory_space<hbm>> -> memref<6272xf32, #tpu.memory_space<hbm>>
      %dma_start3A_153 = tpu.memref_slice %arg6[%add3A_146] : memref<16x!tpu.dma_semaphore, #tpu.memory_space<semaphore_mem>> -> memref<1x!tpu.dma_semaphore, #tpu.memory_space<semaphore_mem>>
      %dma_start3A_154 = tpu.memref_squeeze %dma_start3A_153 : memref<1x!tpu.dma_semaphore, #tpu.memory_space<semaphore_mem>> -> memref<!tpu.dma_semaphore, #tpu.memory_space<semaphore_mem>>
      %dma_start3A_155 = arith.constant 0 : i32
      %dma_start3A_156 = tpu.memref_slice %arg4[%add3A_146, %dma_start3A_155] : memref<16x6272xf32, #tpu.memory_space<vmem>> -> memref<1x6272xf32, #tpu.memory_space<vmem>>
      %dma_start3A_157 = tpu.memref_squeeze %dma_start3A_156 : memref<1x6272xf32, #tpu.memory_space<vmem>> -> memref<6272xf32, #tpu.memory_space<vmem>>
      %dma_start3A_158 = tpu.memref_slice %arg2[%select_n3A, %dma_start3A_147, %mul3A_32] : memref<4x768x50176xf32, #tpu.memory_space<hbm>> -> memref<1x1x6272xf32, #tpu.memory_space<hbm>>
      %dma_start3A_159 = tpu.memref_squeeze %dma_start3A_158 : memref<1x1x6272xf32, #tpu.memory_space<hbm>> -> memref<6272xf32, #tpu.memory_space<hbm>>
      tpu.enqueue_dma source(%dma_start3A_159 : memref<6272xf32, #tpu.memory_space<hbm>>) target(%dma_start3A_157 : memref<6272xf32, #tpu.memory_space<vmem>>) target_semaphore(%dma_start3A_154 : memref<!tpu.dma_semaphore, #tpu.memory_space<semaphore_mem>>)
      %rem3A_160 = arith.constant 1 : i32
      %rem3A_161 = arith.constant 2 : i32
      %rem3A_162 = arith.remsi %rem3A_160, %rem3A_161 : i32
      %mul3A_163 = arith.constant 8 : i32
      %mul3A_164 = arith.muli %rem3A_162, %mul3A_163 : i32
      %add3A_165 = arith.constant 0 : i32
      %add3A_166 = arith.addi %mul3A_164, %add3A_165 : i32
      %dma_start3A_167 = arith.constant 760 : i32
      %dma_start3A_168 = arith.constant 0 : i32
      %dma_start3A_169 = tpu.memref_slice %arg4[%add3A_166, %dma_start3A_168] : memref<16x6272xf32, #tpu.memory_space<vmem>> -> memref<1x6272xf32, #tpu.memory_space<vmem>>
      %dma_start3A_170 = tpu.memref_squeeze %dma_start3A_169 : memref<1x6272xf32, #tpu.memory_space<vmem>> -> memref<6272xf32, #tpu.memory_space<vmem>>
      %dma_start3A_171 = tpu.memref_slice %arg2[%select_n3A, %dma_start3A_167, %mul3A_32] : memref<4x768x50176xf32, #tpu.memory_space<hbm>> -> memref<1x1x6272xf32, #tpu.memory_space<hbm>>
      %dma_start3A_172 = tpu.memref_squeeze %dma_start3A_171 : memref<1x1x6272xf32, #tpu.memory_space<hbm>> -> memref<6272xf32, #tpu.memory_space<hbm>>
      %dma_start3A_173 = tpu.memref_slice %arg6[%add3A_166] : memref<16x!tpu.dma_semaphore, #tpu.memory_space<semaphore_mem>> -> memref<1x!tpu.dma_semaphore, #tpu.memory_space<semaphore_mem>>
      %dma_start3A_174 = tpu.memref_squeeze %dma_start3A_173 : memref<1x!tpu.dma_semaphore, #tpu.memory_space<semaphore_mem>> -> memref<!tpu.dma_semaphore, #tpu.memory_space<semaphore_mem>>
      %dma_start3A_175 = arith.constant 0 : i32
      %dma_start3A_176 = tpu.memref_slice %arg4[%add3A_166, %dma_start3A_175] : memref<16x6272xf32, #tpu.memory_space<vmem>> -> memref<1x6272xf32, #tpu.memory_space<vmem>>
      %dma_start3A_177 = tpu.memref_squeeze %dma_start3A_176 : memref<1x6272xf32, #tpu.memory_space<vmem>> -> memref<6272xf32, #tpu.memory_space<vmem>>
      %dma_start3A_178 = tpu.memref_slice %arg2[%select_n3A, %dma_start3A_167, %mul3A_32] : memref<4x768x50176xf32, #tpu.memory_space<hbm>> -> memref<1x1x6272xf32, #tpu.memory_space<hbm>>
      %dma_start3A_179 = tpu.memref_squeeze %dma_start3A_178 : memref<1x1x6272xf32, #tpu.memory_space<hbm>> -> memref<6272xf32, #tpu.memory_space<hbm>>
      tpu.enqueue_dma source(%dma_start3A_179 : memref<6272xf32, #tpu.memory_space<hbm>>) target(%dma_start3A_177 : memref<6272xf32, #tpu.memory_space<vmem>>) target_semaphore(%dma_start3A_174 : memref<!tpu.dma_semaphore, #tpu.memory_space<semaphore_mem>>)
      %add3A_180 = arith.constant 1 : i32
      %add3A_181 = arith.addi %mul3A_164, %add3A_180 : i32
      %dma_start3A_182 = arith.constant 761 : i32
      %dma_start3A_183 = arith.constant 0 : i32
      %dma_start3A_184 = tpu.memref_slice %arg4[%add3A_181, %dma_start3A_183] : memref<16x6272xf32, #tpu.memory_space<vmem>> -> memref<1x6272xf32, #tpu.memory_space<vmem>>
      %dma_start3A_185 = tpu.memref_squeeze %dma_start3A_184 : memref<1x6272xf32, #tpu.memory_space<vmem>> -> memref<6272xf32, #tpu.memory_space<vmem>>
      %dma_start3A_186 = tpu.memref_slice %arg2[%select_n3A, %dma_start3A_182, %mul3A_32] : memref<4x768x50176xf32, #tpu.memory_space<hbm>> -> memref<1x1x6272xf32, #tpu.memory_space<hbm>>
      %dma_start3A_187 = tpu.memref_squeeze %dma_start3A_186 : memref<1x1x6272xf32, #tpu.memory_space<hbm>> -> memref<6272xf32, #tpu.memory_space<hbm>>
      %dma_start3A_188 = tpu.memref_slice %arg6[%add3A_181] : memref<16x!tpu.dma_semaphore, #tpu.memory_space<semaphore_mem>> -> memref<1x!tpu.dma_semaphore, #tpu.memory_space<semaphore_mem>>
      %dma_start3A_189 = tpu.memref_squeeze %dma_start3A_188 : memref<1x!tpu.dma_semaphore, #tpu.memory_space<semaphore_mem>> -> memref<!tpu.dma_semaphore, #tpu.memory_space<semaphore_mem>>
      %dma_start3A_190 = arith.constant 0 : i32
      %dma_start3A_191 = tpu.memref_slice %arg4[%add3A_181, %dma_start3A_190] : memref<16x6272xf32, #tpu.memory_space<vmem>> -> memref<1x6272xf32, #tpu.memory_space<vmem>>
      %dma_start3A_192 = tpu.memref_squeeze %dma_start3A_191 : memref<1x6272xf32, #tpu.memory_space<vmem>> -> memref<6272xf32, #tpu.memory_space<vmem>>
      %dma_start3A_193 = tpu.memref_slice %arg2[%select_n3A, %dma_start3A_182, %mul3A_32] : memref<4x768x50176xf32, #tpu.memory_space<hbm>> -> memref<1x1x6272xf32, #tpu.memory_space<hbm>>
      %dma_start3A_194 = tpu.memref_squeeze %dma_start3A_193 : memref<1x1x6272xf32, #tpu.memory_space<hbm>> -> memref<6272xf32, #tpu.memory_space<hbm>>
      tpu.enqueue_dma source(%dma_start3A_194 : memref<6272xf32, #tpu.memory_space<hbm>>) target(%dma_start3A_192 : memref<6272xf32, #tpu.memory_space<vmem>>) target_semaphore(%dma_start3A_189 : memref<!tpu.dma_semaphore, #tpu.memory_space<semaphore_mem>>)
      %add3A_195 = arith.constant 2 : i32
      %add3A_196 = arith.addi %mul3A_164, %add3A_195 : i32
      %dma_start3A_197 = arith.constant 762 : i32
      %dma_start3A_198 = arith.constant 0 : i32
      %dma_start3A_199 = tpu.memref_slice %arg4[%add3A_196, %dma_start3A_198] : memref<16x6272xf32, #tpu.memory_space<vmem>> -> memref<1x6272xf32, #tpu.memory_space<vmem>>
      %dma_start3A_200 = tpu.memref_squeeze %dma_start3A_199 : memref<1x6272xf32, #tpu.memory_space<vmem>> -> memref<6272xf32, #tpu.memory_space<vmem>>
      %dma_start3A_201 = tpu.memref_slice %arg2[%select_n3A, %dma_start3A_197, %mul3A_32] : memref<4x768x50176xf32, #tpu.memory_space<hbm>> -> memref<1x1x6272xf32, #tpu.memory_space<hbm>>
      %dma_start3A_202 = tpu.memref_squeeze %dma_start3A_201 : memref<1x1x6272xf32, #tpu.memory_space<hbm>> -> memref<6272xf32, #tpu.memory_space<hbm>>
      %dma_start3A_203 = tpu.memref_slice %arg6[%add3A_196] : memref<16x!tpu.dma_semaphore, #tpu.memory_space<semaphore_mem>> -> memref<1x!tpu.dma_semaphore, #tpu.memory_space<semaphore_mem>>
      %dma_start3A_204 = tpu.memref_squeeze %dma_start3A_203 : memref<1x!tpu.dma_semaphore, #tpu.memory_space<semaphore_mem>> -> memref<!tpu.dma_semaphore, #tpu.memory_space<semaphore_mem>>
      %dma_start3A_205 = arith.constant 0 : i32
      %dma_start3A_206 = tpu.memref_slice %arg4[%add3A_196, %dma_start3A_205] : memref<16x6272xf32, #tpu.memory_space<vmem>> -> memref<1x6272xf32, #tpu.memory_space<vmem>>
      %dma_start3A_207 = tpu.memref_squeeze %dma_start3A_206 : memref<1x6272xf32, #tpu.memory_space<vmem>> -> memref<6272xf32, #tpu.memory_space<vmem>>
      %dma_start3A_208 = tpu.memref_slice %arg2[%select_n3A, %dma_start3A_197, %mul3A_32] : memref<4x768x50176xf32, #tpu.memory_space<hbm>> -> memref<1x1x6272xf32, #tpu.memory_space<hbm>>
      %dma_start3A_209 = tpu.memref_squeeze %dma_start3A_208 : memref<1x1x6272xf32, #tpu.memory_space<hbm>> -> memref<6272xf32, #tpu.memory_space<hbm>>
      tpu.enqueue_dma source(%dma_start3A_209 : memref<6272xf32, #tpu.memory_space<hbm>>) target(%dma_start3A_207 : memref<6272xf32, #tpu.memory_space<vmem>>) target_semaphore(%dma_start3A_204 : memref<!tpu.dma_semaphore, #tpu.memory_space<semaphore_mem>>)
      %add3A_210 = arith.constant 3 : i32
      %add3A_211 = arith.addi %mul3A_164, %add3A_210 : i32
      %dma_start3A_212 = arith.constant 763 : i32
      %dma_start3A_213 = arith.constant 0 : i32
      %dma_start3A_214 = tpu.memref_slice %arg4[%add3A_211, %dma_start3A_213] : memref<16x6272xf32, #tpu.memory_space<vmem>> -> memref<1x6272xf32, #tpu.memory_space<vmem>>
      %dma_start3A_215 = tpu.memref_squeeze %dma_start3A_214 : memref<1x6272xf32, #tpu.memory_space<vmem>> -> memref<6272xf32, #tpu.memory_space<vmem>>
      %dma_start3A_216 = tpu.memref_slice %arg2[%select_n3A, %dma_start3A_212, %mul3A_32] : memref<4x768x50176xf32, #tpu.memory_space<hbm>> -> memref<1x1x6272xf32, #tpu.memory_space<hbm>>
      %dma_start3A_217 = tpu.memref_squeeze %dma_start3A_216 : memref<1x1x6272xf32, #tpu.memory_space<hbm>> -> memref<6272xf32, #tpu.memory_space<hbm>>
      %dma_start3A_218 = tpu.memref_slice %arg6[%add3A_211] : memref<16x!tpu.dma_semaphore, #tpu.memory_space<semaphore_mem>> -> memref<1x!tpu.dma_semaphore, #tpu.memory_space<semaphore_mem>>
      %dma_start3A_219 = tpu.memref_squeeze %dma_start3A_218 : memref<1x!tpu.dma_semaphore, #tpu.memory_space<semaphore_mem>> -> memref<!tpu.dma_semaphore, #tpu.memory_space<semaphore_mem>>
      %dma_start3A_220 = arith.constant 0 : i32
      %dma_start3A_221 = tpu.memref_slice %arg4[%add3A_211, %dma_start3A_220] : memref<16x6272xf32, #tpu.memory_space<vmem>> -> memref<1x6272xf32, #tpu.memory_space<vmem>>
      %dma_start3A_222 = tpu.memref_squeeze %dma_start3A_221 : memref<1x6272xf32, #tpu.memory_space<vmem>> -> memref<6272xf32, #tpu.memory_space<vmem>>
      %dma_start3A_223 = tpu.memref_slice %arg2[%select_n3A, %dma_start3A_212, %mul3A_32] : memref<4x768x50176xf32, #tpu.memory_space<hbm>> -> memref<1x1x6272xf32, #tpu.memory_space<hbm>>
      %dma_start3A_224 = tpu.memref_squeeze %dma_start3A_223 : memref<1x1x6272xf32, #tpu.memory_space<hbm>> -> memref<6272xf32, #tpu.memory_space<hbm>>
      tpu.enqueue_dma source(%dma_start3A_224 : memref<6272xf32, #tpu.memory_space<hbm>>) target(%dma_start3A_222 : memref<6272xf32, #tpu.memory_space<vmem>>) target_semaphore(%dma_start3A_219 : memref<!tpu.dma_semaphore, #tpu.memory_space<semaphore_mem>>)
      %add3A_225 = arith.constant 4 : i32
      %add3A_226 = arith.addi %mul3A_164, %add3A_225 : i32
      %dma_start3A_227 = arith.constant 764 : i32
      %dma_start3A_228 = arith.constant 0 : i32
      %dma_start3A_229 = tpu.memref_slice %arg4[%add3A_226, %dma_start3A_228] : memref<16x6272xf32, #tpu.memory_space<vmem>> -> memref<1x6272xf32, #tpu.memory_space<vmem>>
      %dma_start3A_230 = tpu.memref_squeeze %dma_start3A_229 : memref<1x6272xf32, #tpu.memory_space<vmem>> -> memref<6272xf32, #tpu.memory_space<vmem>>
      %dma_start3A_231 = tpu.memref_slice %arg2[%select_n3A, %dma_start3A_227, %mul3A_32] : memref<4x768x50176xf32, #tpu.memory_space<hbm>> -> memref<1x1x6272xf32, #tpu.memory_space<hbm>>
      %dma_start3A_232 = tpu.memref_squeeze %dma_start3A_231 : memref<1x1x6272xf32, #tpu.memory_space<hbm>> -> memref<6272xf32, #tpu.memory_space<hbm>>
      %dma_start3A_233 = tpu.memref_slice %arg6[%add3A_226] : memref<16x!tpu.dma_semaphore, #tpu.memory_space<semaphore_mem>> -> memref<1x!tpu.dma_semaphore, #tpu.memory_space<semaphore_mem>>
      %dma_start3A_234 = tpu.memref_squeeze %dma_start3A_233 : memref<1x!tpu.dma_semaphore, #tpu.memory_space<semaphore_mem>> -> memref<!tpu.dma_semaphore, #tpu.memory_space<semaphore_mem>>
      %dma_start3A_235 = arith.constant 0 : i32
      %dma_start3A_236 = tpu.memref_slice %arg4[%add3A_226, %dma_start3A_235] : memref<16x6272xf32, #tpu.memory_space<vmem>> -> memref<1x6272xf32, #tpu.memory_space<vmem>>
      %dma_start3A_237 = tpu.memref_squeeze %dma_start3A_236 : memref<1x6272xf32, #tpu.memory_space<vmem>> -> memref<6272xf32, #tpu.memory_space<vmem>>
      %dma_start3A_238 = tpu.memref_slice %arg2[%select_n3A, %dma_start3A_227, %mul3A_32] : memref<4x768x50176xf32, #tpu.memory_space<hbm>> -> memref<1x1x6272xf32, #tpu.memory_space<hbm>>
      %dma_start3A_239 = tpu.memref_squeeze %dma_start3A_238 : memref<1x1x6272xf32, #tpu.memory_space<hbm>> -> memref<6272xf32, #tpu.memory_space<hbm>>
      tpu.enqueue_dma source(%dma_start3A_239 : memref<6272xf32, #tpu.memory_space<hbm>>) target(%dma_start3A_237 : memref<6272xf32, #tpu.memory_space<vmem>>) target_semaphore(%dma_start3A_234 : memref<!tpu.dma_semaphore, #tpu.memory_space<semaphore_mem>>)
      %add3A_240 = arith.constant 5 : i32
      %add3A_241 = arith.addi %mul3A_164, %add3A_240 : i32
      %dma_start3A_242 = arith.constant 765 : i32
      %dma_start3A_243 = arith.constant 0 : i32
      %dma_start3A_244 = tpu.memref_slice %arg4[%add3A_241, %dma_start3A_243] : memref<16x6272xf32, #tpu.memory_space<vmem>> -> memref<1x6272xf32, #tpu.memory_space<vmem>>
      %dma_start3A_245 = tpu.memref_squeeze %dma_start3A_244 : memref<1x6272xf32, #tpu.memory_space<vmem>> -> memref<6272xf32, #tpu.memory_space<vmem>>
      %dma_start3A_246 = tpu.memref_slice %arg2[%select_n3A, %dma_start3A_242, %mul3A_32] : memref<4x768x50176xf32, #tpu.memory_space<hbm>> -> memref<1x1x6272xf32, #tpu.memory_space<hbm>>
      %dma_start3A_247 = tpu.memref_squeeze %dma_start3A_246 : memref<1x1x6272xf32, #tpu.memory_space<hbm>> -> memref<6272xf32, #tpu.memory_space<hbm>>
      %dma_start3A_248 = tpu.memref_slice %arg6[%add3A_241] : memref<16x!tpu.dma_semaphore, #tpu.memory_space<semaphore_mem>> -> memref<1x!tpu.dma_semaphore, #tpu.memory_space<semaphore_mem>>
      %dma_start3A_249 = tpu.memref_squeeze %dma_start3A_248 : memref<1x!tpu.dma_semaphore, #tpu.memory_space<semaphore_mem>> -> memref<!tpu.dma_semaphore, #tpu.memory_space<semaphore_mem>>
      %dma_start3A_250 = arith.constant 0 : i32
      %dma_start3A_251 = tpu.memref_slice %arg4[%add3A_241, %dma_start3A_250] : memref<16x6272xf32, #tpu.memory_space<vmem>> -> memref<1x6272xf32, #tpu.memory_space<vmem>>
      %dma_start3A_252 = tpu.memref_squeeze %dma_start3A_251 : memref<1x6272xf32, #tpu.memory_space<vmem>> -> memref<6272xf32, #tpu.memory_space<vmem>>
      %dma_start3A_253 = tpu.memref_slice %arg2[%select_n3A, %dma_start3A_242, %mul3A_32] : memref<4x768x50176xf32, #tpu.memory_space<hbm>> -> memref<1x1x6272xf32, #tpu.memory_space<hbm>>
      %dma_start3A_254 = tpu.memref_squeeze %dma_start3A_253 : memref<1x1x6272xf32, #tpu.memory_space<hbm>> -> memref<6272xf32, #tpu.memory_space<hbm>>
      tpu.enqueue_dma source(%dma_start3A_254 : memref<6272xf32, #tpu.memory_space<hbm>>) target(%dma_start3A_252 : memref<6272xf32, #tpu.memory_space<vmem>>) target_semaphore(%dma_start3A_249 : memref<!tpu.dma_semaphore, #tpu.memory_space<semaphore_mem>>)
      %add3A_255 = arith.constant 6 : i32
      %add3A_256 = arith.addi %mul3A_164, %add3A_255 : i32
      %dma_start3A_257 = arith.constant 766 : i32
      %dma_start3A_258 = arith.constant 0 : i32
      %dma_start3A_259 = tpu.memref_slice %arg4[%add3A_256, %dma_start3A_258] : memref<16x6272xf32, #tpu.memory_space<vmem>> -> memref<1x6272xf32, #tpu.memory_space<vmem>>
      %dma_start3A_260 = tpu.memref_squeeze %dma_start3A_259 : memref<1x6272xf32, #tpu.memory_space<vmem>> -> memref<6272xf32, #tpu.memory_space<vmem>>
      %dma_start3A_261 = tpu.memref_slice %arg2[%select_n3A, %dma_start3A_257, %mul3A_32] : memref<4x768x50176xf32, #tpu.memory_space<hbm>> -> memref<1x1x6272xf32, #tpu.memory_space<hbm>>
      %dma_start3A_262 = tpu.memref_squeeze %dma_start3A_261 : memref<1x1x6272xf32, #tpu.memory_space<hbm>> -> memref<6272xf32, #tpu.memory_space<hbm>>
      %dma_start3A_263 = tpu.memref_slice %arg6[%add3A_256] : memref<16x!tpu.dma_semaphore, #tpu.memory_space<semaphore_mem>> -> memref<1x!tpu.dma_semaphore, #tpu.memory_space<semaphore_mem>>
      %dma_start3A_264 = tpu.memref_squeeze %dma_start3A_263 : memref<1x!tpu.dma_semaphore, #tpu.memory_space<semaphore_mem>> -> memref<!tpu.dma_semaphore, #tpu.memory_space<semaphore_mem>>
      %dma_start3A_265 = arith.constant 0 : i32
      %dma_start3A_266 = tpu.memref_slice %arg4[%add3A_256, %dma_start3A_265] : memref<16x6272xf32, #tpu.memory_space<vmem>> -> memref<1x6272xf32, #tpu.memory_space<vmem>>
      %dma_start3A_267 = tpu.memref_squeeze %dma_start3A_266 : memref<1x6272xf32, #tpu.memory_space<vmem>> -> memref<6272xf32, #tpu.memory_space<vmem>>
      %dma_start3A_268 = tpu.memref_slice %arg2[%select_n3A, %dma_start3A_257, %mul3A_32] : memref<4x768x50176xf32, #tpu.memory_space<hbm>> -> memref<1x1x6272xf32, #tpu.memory_space<hbm>>
      %dma_start3A_269 = tpu.memref_squeeze %dma_start3A_268 : memref<1x1x6272xf32, #tpu.memory_space<hbm>> -> memref<6272xf32, #tpu.memory_space<hbm>>
      tpu.enqueue_dma source(%dma_start3A_269 : memref<6272xf32, #tpu.memory_space<hbm>>) target(%dma_start3A_267 : memref<6272xf32, #tpu.memory_space<vmem>>) target_semaphore(%dma_start3A_264 : memref<!tpu.dma_semaphore, #tpu.memory_space<semaphore_mem>>)
      %add3A_270 = arith.constant 7 : i32
      %add3A_271 = arith.addi %mul3A_164, %add3A_270 : i32
      %dma_start3A_272 = arith.constant 767 : i32
      %dma_start3A_273 = arith.constant 0 : i32
      %dma_start3A_274 = tpu.memref_slice %arg4[%add3A_271, %dma_start3A_273] : memref<16x6272xf32, #tpu.memory_space<vmem>> -> memref<1x6272xf32, #tpu.memory_space<vmem>>
      %dma_start3A_275 = tpu.memref_squeeze %dma_start3A_274 : memref<1x6272xf32, #tpu.memory_space<vmem>> -> memref<6272xf32, #tpu.memory_space<vmem>>
      %dma_start3A_276 = tpu.memref_slice %arg2[%select_n3A, %dma_start3A_272, %mul3A_32] : memref<4x768x50176xf32, #tpu.memory_space<hbm>> -> memref<1x1x6272xf32, #tpu.memory_space<hbm>>
      %dma_start3A_277 = tpu.memref_squeeze %dma_start3A_276 : memref<1x1x6272xf32, #tpu.memory_space<hbm>> -> memref<6272xf32, #tpu.memory_space<hbm>>
      %dma_start3A_278 = tpu.memref_slice %arg6[%add3A_271] : memref<16x!tpu.dma_semaphore, #tpu.memory_space<semaphore_mem>> -> memref<1x!tpu.dma_semaphore, #tpu.memory_space<semaphore_mem>>
      %dma_start3A_279 = tpu.memref_squeeze %dma_start3A_278 : memref<1x!tpu.dma_semaphore, #tpu.memory_space<semaphore_mem>> -> memref<!tpu.dma_semaphore, #tpu.memory_space<semaphore_mem>>
      %dma_start3A_280 = arith.constant 0 : i32
      %dma_start3A_281 = tpu.memref_slice %arg4[%add3A_271, %dma_start3A_280] : memref<16x6272xf32, #tpu.memory_space<vmem>> -> memref<1x6272xf32, #tpu.memory_space<vmem>>
      %dma_start3A_282 = tpu.memref_squeeze %dma_start3A_281 : memref<1x6272xf32, #tpu.memory_space<vmem>> -> memref<6272xf32, #tpu.memory_space<vmem>>
      %dma_start3A_283 = tpu.memref_slice %arg2[%select_n3A, %dma_start3A_272, %mul3A_32] : memref<4x768x50176xf32, #tpu.memory_space<hbm>> -> memref<1x1x6272xf32, #tpu.memory_space<hbm>>
      %dma_start3A_284 = tpu.memref_squeeze %dma_start3A_283 : memref<1x1x6272xf32, #tpu.memory_space<hbm>> -> memref<6272xf32, #tpu.memory_space<hbm>>
      tpu.enqueue_dma source(%dma_start3A_284 : memref<6272xf32, #tpu.memory_space<hbm>>) target(%dma_start3A_282 : memref<6272xf32, #tpu.memory_space<vmem>>) target_semaphore(%dma_start3A_279 : memref<!tpu.dma_semaphore, #tpu.memory_space<semaphore_mem>>)
      %scan3A = arith.constant 0 : i32
      %scan3A_285 = arith.constant 0 : i32
      %scan3A_286 = arith.constant 392 : i32
      %scan3A_287 = arith.addi %scan3A_285, %scan3A_286 : i32
      %scan3A_288 = arith.constant 1 : i32
      scf.for %scan3A_296 = %scan3A_285 to %scan3A_287 step %scan3A_288  : i32 {
        %broadcast_in_dim3A = arith.constant 0.000000e+00 : f32
        %broadcast_in_dim3A_297 = vector.broadcast %broadcast_in_dim3A : f32 to vector<16xf32>
        %mul3A_298 = arith.constant 16 : i32
        %mul3A_299 = arith.muli %scan3A_296, %mul3A_298 : i32
        %swap3A = arith.index_cast %mul3A_299 : i32 to index
        %swap3A_300 = tpu.vector_load %arg5[%swap3A] {strides = array<i32>} : memref<6272xf32, #tpu.memory_space<vmem>>, vector<16xf32>,
        %swap3A_301 = vector.shape_cast %swap3A_300 : vector<16xf32> to vector<16xf32>
        %swap3A_302 = vector.shape_cast %broadcast_in_dim3A_297 : vector<16xf32> to vector<16xf32>
        tpu.vector_store %arg5[%swap3A], %swap3A_302 {strides = array<i32>} : memref<6272xf32, #tpu.memory_space<vmem>>, vector<16xf32>,
      }
      %scan3A_289 = arith.constant 392 : i32
      %scan3A_290 = arith.constant 0 : i32
      %scan3A_291 = arith.constant 0 : i32
      %scan3A_292 = arith.constant 2 : i32
      %scan3A_293 = arith.addi %scan3A_291, %scan3A_292 : i32
      %scan3A_294 = arith.constant 1 : i32
      scf.for %scan3A_296 = %scan3A_291 to %scan3A_293 step %scan3A_294  : i32 {
        %rem3A_297 = arith.constant 2 : i32
        %rem3A_298 = arith.remsi %scan3A_296, %rem3A_297 : i32
        %mul3A_299 = arith.constant 8 : i32
        %mul3A_300 = arith.muli %rem3A_298, %mul3A_299 : i32
        %mul3A_301 = arith.constant 8 : i32
        %mul3A_302 = arith.muli %scan3A_296, %mul3A_301 : i32
        %add3A_303 = arith.constant 752 : i32
        %add3A_304 = arith.addi %add3A_303, %mul3A_302 : i32
        %add3A_305 = arith.constant 0 : i32
        %add3A_306 = arith.addi %add3A_304, %add3A_305 : i32
        %add3A_307 = arith.constant 0 : i32
        %add3A_308 = arith.addi %mul3A_300, %add3A_307 : i32
        %dma_wait3A = arith.constant 0 : i32
        %dma_wait3A_309 = tpu.memref_slice %arg4[%add3A_308, %dma_wait3A] : memref<16x6272xf32, #tpu.memory_space<vmem>> -> memref<1x6272xf32, #tpu.memory_space<vmem>>
        %dma_wait3A_310 = tpu.memref_squeeze %dma_wait3A_309 : memref<1x6272xf32, #tpu.memory_space<vmem>> -> memref<6272xf32, #tpu.memory_space<vmem>>
        %dma_wait3A_311 = tpu.memref_slice %arg2[%select_n3A, %add3A_306, %mul3A_32] : memref<4x768x50176xf32, #tpu.memory_space<hbm>> -> memref<1x1x6272xf32, #tpu.memory_space<hbm>>
        %dma_wait3A_312 = tpu.memref_squeeze %dma_wait3A_311 : memref<1x1x6272xf32, #tpu.memory_space<hbm>> -> memref<6272xf32, #tpu.memory_space<hbm>>
        %dma_wait3A_313 = tpu.memref_slice %arg6[%add3A_308] : memref<16x!tpu.dma_semaphore, #tpu.memory_space<semaphore_mem>> -> memref<1x!tpu.dma_semaphore, #tpu.memory_space<semaphore_mem>>
        %dma_wait3A_314 = tpu.memref_squeeze %dma_wait3A_313 : memref<1x!tpu.dma_semaphore, #tpu.memory_space<semaphore_mem>> -> memref<!tpu.dma_semaphore, #tpu.memory_space<semaphore_mem>>
        %dma_wait3A_315 = arith.constant 0 : i32
        %dma_wait3A_316 = tpu.memref_slice %arg4[%add3A_308, %dma_wait3A_315] : memref<16x6272xf32, #tpu.memory_space<vmem>> -> memref<1x6272xf32, #tpu.memory_space<vmem>>
        %dma_wait3A_317 = tpu.memref_squeeze %dma_wait3A_316 : memref<1x6272xf32, #tpu.memory_space<vmem>> -> memref<6272xf32, #tpu.memory_space<vmem>>
        %dma_wait3A_318 = tpu.memref_slice %arg2[%select_n3A, %add3A_306, %mul3A_32] : memref<4x768x50176xf32, #tpu.memory_space<hbm>> -> memref<1x1x6272xf32, #tpu.memory_space<hbm>>
        %dma_wait3A_319 = tpu.memref_squeeze %dma_wait3A_318 : memref<1x1x6272xf32, #tpu.memory_space<hbm>> -> memref<6272xf32, #tpu.memory_space<hbm>>
        tpu.wait_dma2 semaphore(%dma_wait3A_314 : memref<!tpu.dma_semaphore, #tpu.memory_space<semaphore_mem>>) src(%dma_wait3A_319 : memref<6272xf32, #tpu.memory_space<hbm>>) dst(%dma_wait3A_317 : memref<6272xf32, #tpu.memory_space<vmem>>)
        %mul3A_320 = arith.constant 8 : i32
        %mul3A_321 = arith.muli %scan3A_296, %mul3A_320 : i32
        %add3A_322 = arith.constant 752 : i32
        %add3A_323 = arith.addi %add3A_322, %mul3A_321 : i32
        %add3A_324 = arith.constant 1 : i32
        %add3A_325 = arith.addi %add3A_323, %add3A_324 : i32
        %add3A_326 = arith.constant 1 : i32
        %add3A_327 = arith.addi %mul3A_300, %add3A_326 : i32
        %dma_wait3A_328 = arith.constant 0 : i32
        %dma_wait3A_329 = tpu.memref_slice %arg4[%add3A_327, %dma_wait3A_328] : memref<16x6272xf32, #tpu.memory_space<vmem>> -> memref<1x6272xf32, #tpu.memory_space<vmem>>
        %dma_wait3A_330 = tpu.memref_squeeze %dma_wait3A_329 : memref<1x6272xf32, #tpu.memory_space<vmem>> -> memref<6272xf32, #tpu.memory_space<vmem>>
        %dma_wait3A_331 = tpu.memref_slice %arg2[%select_n3A, %add3A_325, %mul3A_32] : memref<4x768x50176xf32, #tpu.memory_space<hbm>> -> memref<1x1x6272xf32, #tpu.memory_space<hbm>>
        %dma_wait3A_332 = tpu.memref_squeeze %dma_wait3A_331 : memref<1x1x6272xf32, #tpu.memory_space<hbm>> -> memref<6272xf32, #tpu.memory_space<hbm>>
        %dma_wait3A_333 = tpu.memref_slice %arg6[%add3A_327] : memref<16x!tpu.dma_semaphore, #tpu.memory_space<semaphore_mem>> -> memref<1x!tpu.dma_semaphore, #tpu.memory_space<semaphore_mem>>
        %dma_wait3A_334 = tpu.memref_squeeze %dma_wait3A_333 : memref<1x!tpu.dma_semaphore, #tpu.memory_space<semaphore_mem>> -> memref<!tpu.dma_semaphore, #tpu.memory_space<semaphore_mem>>
        %dma_wait3A_335 = arith.constant 0 : i32
        %dma_wait3A_336 = tpu.memref_slice %arg4[%add3A_327, %dma_wait3A_335] : memref<16x6272xf32, #tpu.memory_space<vmem>> -> memref<1x6272xf32, #tpu.memory_space<vmem>>
        %dma_wait3A_337 = tpu.memref_squeeze %dma_wait3A_336 : memref<1x6272xf32, #tpu.memory_space<vmem>> -> memref<6272xf32, #tpu.memory_space<vmem>>
        %dma_wait3A_338 = tpu.memref_slice %arg2[%select_n3A, %add3A_325, %mul3A_32] : memref<4x768x50176xf32, #tpu.memory_space<hbm>> -> memref<1x1x6272xf32, #tpu.memory_space<hbm>>
        %dma_wait3A_339 = tpu.memref_squeeze %dma_wait3A_338 : memref<1x1x6272xf32, #tpu.memory_space<hbm>> -> memref<6272xf32, #tpu.memory_space<hbm>>
        tpu.wait_dma2 semaphore(%dma_wait3A_334 : memref<!tpu.dma_semaphore, #tpu.memory_space<semaphore_mem>>) src(%dma_wait3A_339 : memref<6272xf32, #tpu.memory_space<hbm>>) dst(%dma_wait3A_337 : memref<6272xf32, #tpu.memory_space<vmem>>)
        %mul3A_340 = arith.constant 8 : i32
        %mul3A_341 = arith.muli %scan3A_296, %mul3A_340 : i32
        %add3A_342 = arith.constant 752 : i32
        %add3A_343 = arith.addi %add3A_342, %mul3A_341 : i32
        %add3A_344 = arith.constant 2 : i32
        %add3A_345 = arith.addi %add3A_343, %add3A_344 : i32
        %add3A_346 = arith.constant 2 : i32
        %add3A_347 = arith.addi %mul3A_300, %add3A_346 : i32
        %dma_wait3A_348 = arith.constant 0 : i32
        %dma_wait3A_349 = tpu.memref_slice %arg4[%add3A_347, %dma_wait3A_348] : memref<16x6272xf32, #tpu.memory_space<vmem>> -> memref<1x6272xf32, #tpu.memory_space<vmem>>
        %dma_wait3A_350 = tpu.memref_squeeze %dma_wait3A_349 : memref<1x6272xf32, #tpu.memory_space<vmem>> -> memref<6272xf32, #tpu.memory_space<vmem>>
        %dma_wait3A_351 = tpu.memref_slice %arg2[%select_n3A, %add3A_345, %mul3A_32] : memref<4x768x50176xf32, #tpu.memory_space<hbm>> -> memref<1x1x6272xf32, #tpu.memory_space<hbm>>
        %dma_wait3A_352 = tpu.memref_squeeze %dma_wait3A_351 : memref<1x1x6272xf32, #tpu.memory_space<hbm>> -> memref<6272xf32, #tpu.memory_space<hbm>>
        %dma_wait3A_353 = tpu.memref_slice %arg6[%add3A_347] : memref<16x!tpu.dma_semaphore, #tpu.memory_space<semaphore_mem>> -> memref<1x!tpu.dma_semaphore, #tpu.memory_space<semaphore_mem>>
        %dma_wait3A_354 = tpu.memref_squeeze %dma_wait3A_353 : memref<1x!tpu.dma_semaphore, #tpu.memory_space<semaphore_mem>> -> memref<!tpu.dma_semaphore, #tpu.memory_space<semaphore_mem>>
        %dma_wait3A_355 = arith.constant 0 : i32
        %dma_wait3A_356 = tpu.memref_slice %arg4[%add3A_347, %dma_wait3A_355] : memref<16x6272xf32, #tpu.memory_space<vmem>> -> memref<1x6272xf32, #tpu.memory_space<vmem>>
        %dma_wait3A_357 = tpu.memref_squeeze %dma_wait3A_356 : memref<1x6272xf32, #tpu.memory_space<vmem>> -> memref<6272xf32, #tpu.memory_space<vmem>>
        %dma_wait3A_358 = tpu.memref_slice %arg2[%select_n3A, %add3A_345, %mul3A_32] : memref<4x768x50176xf32, #tpu.memory_space<hbm>> -> memref<1x1x6272xf32, #tpu.memory_space<hbm>>
        %dma_wait3A_359 = tpu.memref_squeeze %dma_wait3A_358 : memref<1x1x6272xf32, #tpu.memory_space<hbm>> -> memref<6272xf32, #tpu.memory_space<hbm>>
        tpu.wait_dma2 semaphore(%dma_wait3A_354 : memref<!tpu.dma_semaphore, #tpu.memory_space<semaphore_mem>>) src(%dma_wait3A_359 : memref<6272xf32, #tpu.memory_space<hbm>>) dst(%dma_wait3A_357 : memref<6272xf32, #tpu.memory_space<vmem>>)
        %mul3A_360 = arith.constant 8 : i32
        %mul3A_361 = arith.muli %scan3A_296, %mul3A_360 : i32
        %add3A_362 = arith.constant 752 : i32
        %add3A_363 = arith.addi %add3A_362, %mul3A_361 : i32
        %add3A_364 = arith.constant 3 : i32
        %add3A_365 = arith.addi %add3A_363, %add3A_364 : i32
        %add3A_366 = arith.constant 3 : i32
        %add3A_367 = arith.addi %mul3A_300, %add3A_366 : i32
        %dma_wait3A_368 = arith.constant 0 : i32
        %dma_wait3A_369 = tpu.memref_slice %arg4[%add3A_367, %dma_wait3A_368] : memref<16x6272xf32, #tpu.memory_space<vmem>> -> memref<1x6272xf32, #tpu.memory_space<vmem>>
        %dma_wait3A_370 = tpu.memref_squeeze %dma_wait3A_369 : memref<1x6272xf32, #tpu.memory_space<vmem>> -> memref<6272xf32, #tpu.memory_space<vmem>>
        %dma_wait3A_371 = tpu.memref_slice %arg2[%select_n3A, %add3A_365, %mul3A_32] : memref<4x768x50176xf32, #tpu.memory_space<hbm>> -> memref<1x1x6272xf32, #tpu.memory_space<hbm>>
        %dma_wait3A_372 = tpu.memref_squeeze %dma_wait3A_371 : memref<1x1x6272xf32, #tpu.memory_space<hbm>> -> memref<6272xf32, #tpu.memory_space<hbm>>
        %dma_wait3A_373 = tpu.memref_slice %arg6[%add3A_367] : memref<16x!tpu.dma_semaphore, #tpu.memory_space<semaphore_mem>> -> memref<1x!tpu.dma_semaphore, #tpu.memory_space<semaphore_mem>>
        %dma_wait3A_374 = tpu.memref_squeeze %dma_wait3A_373 : memref<1x!tpu.dma_semaphore, #tpu.memory_space<semaphore_mem>> -> memref<!tpu.dma_semaphore, #tpu.memory_space<semaphore_mem>>
        %dma_wait3A_375 = arith.constant 0 : i32
        %dma_wait3A_376 = tpu.memref_slice %arg4[%add3A_367, %dma_wait3A_375] : memref<16x6272xf32, #tpu.memory_space<vmem>> -> memref<1x6272xf32, #tpu.memory_space<vmem>>
        %dma_wait3A_377 = tpu.memref_squeeze %dma_wait3A_376 : memref<1x6272xf32, #tpu.memory_space<vmem>> -> memref<6272xf32, #tpu.memory_space<vmem>>
        %dma_wait3A_378 = tpu.memref_slice %arg2[%select_n3A, %add3A_365, %mul3A_32] : memref<4x768x50176xf32, #tpu.memory_space<hbm>> -> memref<1x1x6272xf32, #tpu.memory_space<hbm>>
        %dma_wait3A_379 = tpu.memref_squeeze %dma_wait3A_378 : memref<1x1x6272xf32, #tpu.memory_space<hbm>> -> memref<6272xf32, #tpu.memory_space<hbm>>
        tpu.wait_dma2 semaphore(%dma_wait3A_374 : memref<!tpu.dma_semaphore, #tpu.memory_space<semaphore_mem>>) src(%dma_wait3A_379 : memref<6272xf32, #tpu.memory_space<hbm>>) dst(%dma_wait3A_377 : memref<6272xf32, #tpu.memory_space<vmem>>)
        %mul3A_380 = arith.constant 8 : i32
        %mul3A_381 = arith.muli %scan3A_296, %mul3A_380 : i32
        %add3A_382 = arith.constant 752 : i32
        %add3A_383 = arith.addi %add3A_382, %mul3A_381 : i32
        %add3A_384 = arith.constant 4 : i32
        %add3A_385 = arith.addi %add3A_383, %add3A_384 : i32
        %add3A_386 = arith.constant 4 : i32
        %add3A_387 = arith.addi %mul3A_300, %add3A_386 : i32
        %dma_wait3A_388 = arith.constant 0 : i32
        %dma_wait3A_389 = tpu.memref_slice %arg4[%add3A_387, %dma_wait3A_388] : memref<16x6272xf32, #tpu.memory_space<vmem>> -> memref<1x6272xf32, #tpu.memory_space<vmem>>
        %dma_wait3A_390 = tpu.memref_squeeze %dma_wait3A_389 : memref<1x6272xf32, #tpu.memory_space<vmem>> -> memref<6272xf32, #tpu.memory_space<vmem>>
        %dma_wait3A_391 = tpu.memref_slice %arg2[%select_n3A, %add3A_385, %mul3A_32] : memref<4x768x50176xf32, #tpu.memory_space<hbm>> -> memref<1x1x6272xf32, #tpu.memory_space<hbm>>
        %dma_wait3A_392 = tpu.memref_squeeze %dma_wait3A_391 : memref<1x1x6272xf32, #tpu.memory_space<hbm>> -> memref<6272xf32, #tpu.memory_space<hbm>>
        %dma_wait3A_393 = tpu.memref_slice %arg6[%add3A_387] : memref<16x!tpu.dma_semaphore, #tpu.memory_space<semaphore_mem>> -> memref<1x!tpu.dma_semaphore, #tpu.memory_space<semaphore_mem>>
        %dma_wait3A_394 = tpu.memref_squeeze %dma_wait3A_393 : memref<1x!tpu.dma_semaphore, #tpu.memory_space<semaphore_mem>> -> memref<!tpu.dma_semaphore, #tpu.memory_space<semaphore_mem>>
        %dma_wait3A_395 = arith.constant 0 : i32
        %dma_wait3A_396 = tpu.memref_slice %arg4[%add3A_387, %dma_wait3A_395] : memref<16x6272xf32, #tpu.memory_space<vmem>> -> memref<1x6272xf32, #tpu.memory_space<vmem>>
        %dma_wait3A_397 = tpu.memref_squeeze %dma_wait3A_396 : memref<1x6272xf32, #tpu.memory_space<vmem>> -> memref<6272xf32, #tpu.memory_space<vmem>>
        %dma_wait3A_398 = tpu.memref_slice %arg2[%select_n3A, %add3A_385, %mul3A_32] : memref<4x768x50176xf32, #tpu.memory_space<hbm>> -> memref<1x1x6272xf32, #tpu.memory_space<hbm>>
        %dma_wait3A_399 = tpu.memref_squeeze %dma_wait3A_398 : memref<1x1x6272xf32, #tpu.memory_space<hbm>> -> memref<6272xf32, #tpu.memory_space<hbm>>
        tpu.wait_dma2 semaphore(%dma_wait3A_394 : memref<!tpu.dma_semaphore, #tpu.memory_space<semaphore_mem>>) src(%dma_wait3A_399 : memref<6272xf32, #tpu.memory_space<hbm>>) dst(%dma_wait3A_397 : memref<6272xf32, #tpu.memory_space<vmem>>)
        %mul3A_400 = arith.constant 8 : i32
        %mul3A_401 = arith.muli %scan3A_296, %mul3A_400 : i32
        %add3A_402 = arith.constant 752 : i32
        %add3A_403 = arith.addi %add3A_402, %mul3A_401 : i32
        %add3A_404 = arith.constant 5 : i32
        %add3A_405 = arith.addi %add3A_403, %add3A_404 : i32
        %add3A_406 = arith.constant 5 : i32
        %add3A_407 = arith.addi %mul3A_300, %add3A_406 : i32
        %dma_wait3A_408 = arith.constant 0 : i32
        %dma_wait3A_409 = tpu.memref_slice %arg4[%add3A_407, %dma_wait3A_408] : memref<16x6272xf32, #tpu.memory_space<vmem>> -> memref<1x6272xf32, #tpu.memory_space<vmem>>
        %dma_wait3A_410 = tpu.memref_squeeze %dma_wait3A_409 : memref<1x6272xf32, #tpu.memory_space<vmem>> -> memref<6272xf32, #tpu.memory_space<vmem>>
        %dma_wait3A_411 = tpu.memref_slice %arg2[%select_n3A, %add3A_405, %mul3A_32] : memref<4x768x50176xf32, #tpu.memory_space<hbm>> -> memref<1x1x6272xf32, #tpu.memory_space<hbm>>
        %dma_wait3A_412 = tpu.memref_squeeze %dma_wait3A_411 : memref<1x1x6272xf32, #tpu.memory_space<hbm>> -> memref<6272xf32, #tpu.memory_space<hbm>>
        %dma_wait3A_413 = tpu.memref_slice %arg6[%add3A_407] : memref<16x!tpu.dma_semaphore, #tpu.memory_space<semaphore_mem>> -> memref<1x!tpu.dma_semaphore, #tpu.memory_space<semaphore_mem>>
        %dma_wait3A_414 = tpu.memref_squeeze %dma_wait3A_413 : memref<1x!tpu.dma_semaphore, #tpu.memory_space<semaphore_mem>> -> memref<!tpu.dma_semaphore, #tpu.memory_space<semaphore_mem>>
        %dma_wait3A_415 = arith.constant 0 : i32
        %dma_wait3A_416 = tpu.memref_slice %arg4[%add3A_407, %dma_wait3A_415] : memref<16x6272xf32, #tpu.memory_space<vmem>> -> memref<1x6272xf32, #tpu.memory_space<vmem>>
        %dma_wait3A_417 = tpu.memref_squeeze %dma_wait3A_416 : memref<1x6272xf32, #tpu.memory_space<vmem>> -> memref<6272xf32, #tpu.memory_space<vmem>>
        %dma_wait3A_418 = tpu.memref_slice %arg2[%select_n3A, %add3A_405, %mul3A_32] : memref<4x768x50176xf32, #tpu.memory_space<hbm>> -> memref<1x1x6272xf32, #tpu.memory_space<hbm>>
        %dma_wait3A_419 = tpu.memref_squeeze %dma_wait3A_418 : memref<1x1x6272xf32, #tpu.memory_space<hbm>> -> memref<6272xf32, #tpu.memory_space<hbm>>
        tpu.wait_dma2 semaphore(%dma_wait3A_414 : memref<!tpu.dma_semaphore, #tpu.memory_space<semaphore_mem>>) src(%dma_wait3A_419 : memref<6272xf32, #tpu.memory_space<hbm>>) dst(%dma_wait3A_417 : memref<6272xf32, #tpu.memory_space<vmem>>)
        %mul3A_420 = arith.constant 8 : i32
        %mul3A_421 = arith.muli %scan3A_296, %mul3A_420 : i32
        %add3A_422 = arith.constant 752 : i32
        %add3A_423 = arith.addi %add3A_422, %mul3A_421 : i32
        %add3A_424 = arith.constant 6 : i32
        %add3A_425 = arith.addi %add3A_423, %add3A_424 : i32
        %add3A_426 = arith.constant 6 : i32
        %add3A_427 = arith.addi %mul3A_300, %add3A_426 : i32
        %dma_wait3A_428 = arith.constant 0 : i32
        %dma_wait3A_429 = tpu.memref_slice %arg4[%add3A_427, %dma_wait3A_428] : memref<16x6272xf32, #tpu.memory_space<vmem>> -> memref<1x6272xf32, #tpu.memory_space<vmem>>
        %dma_wait3A_430 = tpu.memref_squeeze %dma_wait3A_429 : memref<1x6272xf32, #tpu.memory_space<vmem>> -> memref<6272xf32, #tpu.memory_space<vmem>>
        %dma_wait3A_431 = tpu.memref_slice %arg2[%select_n3A, %add3A_425, %mul3A_32] : memref<4x768x50176xf32, #tpu.memory_space<hbm>> -> memref<1x1x6272xf32, #tpu.memory_space<hbm>>
        %dma_wait3A_432 = tpu.memref_squeeze %dma_wait3A_431 : memref<1x1x6272xf32, #tpu.memory_space<hbm>> -> memref<6272xf32, #tpu.memory_space<hbm>>
        %dma_wait3A_433 = tpu.memref_slice %arg6[%add3A_427] : memref<16x!tpu.dma_semaphore, #tpu.memory_space<semaphore_mem>> -> memref<1x!tpu.dma_semaphore, #tpu.memory_space<semaphore_mem>>
        %dma_wait3A_434 = tpu.memref_squeeze %dma_wait3A_433 : memref<1x!tpu.dma_semaphore, #tpu.memory_space<semaphore_mem>> -> memref<!tpu.dma_semaphore, #tpu.memory_space<semaphore_mem>>
        %dma_wait3A_435 = arith.constant 0 : i32
        %dma_wait3A_436 = tpu.memref_slice %arg4[%add3A_427, %dma_wait3A_435] : memref<16x6272xf32, #tpu.memory_space<vmem>> -> memref<1x6272xf32, #tpu.memory_space<vmem>>
        %dma_wait3A_437 = tpu.memref_squeeze %dma_wait3A_436 : memref<1x6272xf32, #tpu.memory_space<vmem>> -> memref<6272xf32, #tpu.memory_space<vmem>>
        %dma_wait3A_438 = tpu.memref_slice %arg2[%select_n3A, %add3A_425, %mul3A_32] : memref<4x768x50176xf32, #tpu.memory_space<hbm>> -> memref<1x1x6272xf32, #tpu.memory_space<hbm>>
        %dma_wait3A_439 = tpu.memref_squeeze %dma_wait3A_438 : memref<1x1x6272xf32, #tpu.memory_space<hbm>> -> memref<6272xf32, #tpu.memory_space<hbm>>
        tpu.wait_dma2 semaphore(%dma_wait3A_434 : memref<!tpu.dma_semaphore, #tpu.memory_space<semaphore_mem>>) src(%dma_wait3A_439 : memref<6272xf32, #tpu.memory_space<hbm>>) dst(%dma_wait3A_437 : memref<6272xf32, #tpu.memory_space<vmem>>)
        %mul3A_440 = arith.constant 8 : i32
        %mul3A_441 = arith.muli %scan3A_296, %mul3A_440 : i32
        %add3A_442 = arith.constant 752 : i32
        %add3A_443 = arith.addi %add3A_442, %mul3A_441 : i32
        %add3A_444 = arith.constant 7 : i32
        %add3A_445 = arith.addi %add3A_443, %add3A_444 : i32
        %add3A_446 = arith.constant 7 : i32
        %add3A_447 = arith.addi %mul3A_300, %add3A_446 : i32
        %dma_wait3A_448 = arith.constant 0 : i32
        %dma_wait3A_449 = tpu.memref_slice %arg4[%add3A_447, %dma_wait3A_448] : memref<16x6272xf32, #tpu.memory_space<vmem>> -> memref<1x6272xf32, #tpu.memory_space<vmem>>
        %dma_wait3A_450 = tpu.memref_squeeze %dma_wait3A_449 : memref<1x6272xf32, #tpu.memory_space<vmem>> -> memref<6272xf32, #tpu.memory_space<vmem>>
        %dma_wait3A_451 = tpu.memref_slice %arg2[%select_n3A, %add3A_445, %mul3A_32] : memref<4x768x50176xf32, #tpu.memory_space<hbm>> -> memref<1x1x6272xf32, #tpu.memory_space<hbm>>
        %dma_wait3A_452 = tpu.memref_squeeze %dma_wait3A_451 : memref<1x1x6272xf32, #tpu.memory_space<hbm>> -> memref<6272xf32, #tpu.memory_space<hbm>>
        %dma_wait3A_453 = tpu.memref_slice %arg6[%add3A_447] : memref<16x!tpu.dma_semaphore, #tpu.memory_space<semaphore_mem>> -> memref<1x!tpu.dma_semaphore, #tpu.memory_space<semaphore_mem>>
        %dma_wait3A_454 = tpu.memref_squeeze %dma_wait3A_453 : memref<1x!tpu.dma_semaphore, #tpu.memory_space<semaphore_mem>> -> memref<!tpu.dma_semaphore, #tpu.memory_space<semaphore_mem>>
        %dma_wait3A_455 = arith.constant 0 : i32
        %dma_wait3A_456 = tpu.memref_slice %arg4[%add3A_447, %dma_wait3A_455] : memref<16x6272xf32, #tpu.memory_space<vmem>> -> memref<1x6272xf32, #tpu.memory_space<vmem>>
        %dma_wait3A_457 = tpu.memref_squeeze %dma_wait3A_456 : memref<1x6272xf32, #tpu.memory_space<vmem>> -> memref<6272xf32, #tpu.memory_space<vmem>>
        %dma_wait3A_458 = tpu.memref_slice %arg2[%select_n3A, %add3A_445, %mul3A_32] : memref<4x768x50176xf32, #tpu.memory_space<hbm>> -> memref<1x1x6272xf32, #tpu.memory_space<hbm>>
        %dma_wait3A_459 = tpu.memref_squeeze %dma_wait3A_458 : memref<1x1x6272xf32, #tpu.memory_space<hbm>> -> memref<6272xf32, #tpu.memory_space<hbm>>
        tpu.wait_dma2 semaphore(%dma_wait3A_454 : memref<!tpu.dma_semaphore, #tpu.memory_space<semaphore_mem>>) src(%dma_wait3A_459 : memref<6272xf32, #tpu.memory_space<hbm>>) dst(%dma_wait3A_457 : memref<6272xf32, #tpu.memory_space<vmem>>)
        %scan3A_460 = arith.constant 0 : i32
        %scan3A_461 = arith.constant 0 : i32
        %scan3A_462 = arith.constant 392 : i32
        %scan3A_463 = arith.addi %scan3A_461, %scan3A_462 : i32
        %scan3A_464 = arith.constant 1 : i32
        scf.for %scan3A_473 = %scan3A_461 to %scan3A_463 step %scan3A_464  : i32 {
          %mul3A_474 = arith.constant 16 : i32
          %mul3A_475 = arith.muli %scan3A_473, %mul3A_474 : i32
          %get3A = arith.index_cast %mul3A_475 : i32 to index
          %get3A_476 = tpu.vector_load %arg5[%get3A] {strides = array<i32>} : memref<6272xf32, #tpu.memory_space<vmem>>, vector<16xf32>,
          %get3A_477 = vector.shape_cast %get3A_476 : vector<16xf32> to vector<16xf32>
          %add3A_478 = arith.constant 0 : i32
          %add3A_479 = arith.addi %mul3A_300, %add3A_478 : i32
          %get3A_480 = arith.index_cast %add3A_479 : i32 to index
          %get3A_481 = arith.index_cast %mul3A_475 : i32 to index
          %get3A_482 = tpu.vector_load %arg4[%get3A_480, %get3A_481] {strides = array<i32>} : memref<16x6272xf32, #tpu.memory_space<vmem>>, vector<1x16xf32>,
          %get3A_483 = vector.shape_cast %get3A_482 : vector<1x16xf32> to vector<16xf32>
          %add3A_484 = arith.addf %get3A_477, %get3A_483 : vector<16xf32>
          %add3A_485 = arith.constant 1 : i32
          %add3A_486 = arith.addi %mul3A_300, %add3A_485 : i32
          %get3A_487 = arith.index_cast %add3A_486 : i32 to index
          %get3A_488 = arith.index_cast %mul3A_475 : i32 to index
          %get3A_489 = tpu.vector_load %arg4[%get3A_487, %get3A_488] {strides = array<i32>} : memref<16x6272xf32, #tpu.memory_space<vmem>>, vector<1x16xf32>,
          %get3A_490 = vector.shape_cast %get3A_489 : vector<1x16xf32> to vector<16xf32>
          %add3A_491 = arith.addf %add3A_484, %get3A_490 : vector<16xf32>
          %add3A_492 = arith.constant 2 : i32
          %add3A_493 = arith.addi %mul3A_300, %add3A_492 : i32
          %get3A_494 = arith.index_cast %add3A_493 : i32 to index
          %get3A_495 = arith.index_cast %mul3A_475 : i32 to index
          %get3A_496 = tpu.vector_load %arg4[%get3A_494, %get3A_495] {strides = array<i32>} : memref<16x6272xf32, #tpu.memory_space<vmem>>, vector<1x16xf32>,
          %get3A_497 = vector.shape_cast %get3A_496 : vector<1x16xf32> to vector<16xf32>
          %add3A_498 = arith.addf %add3A_491, %get3A_497 : vector<16xf32>
          %add3A_499 = arith.constant 3 : i32
          %add3A_500 = arith.addi %mul3A_300, %add3A_499 : i32
          %get3A_501 = arith.index_cast %add3A_500 : i32 to index
          %get3A_502 = arith.index_cast %mul3A_475 : i32 to index
          %get3A_503 = tpu.vector_load %arg4[%get3A_501, %get3A_502] {strides = array<i32>} : memref<16x6272xf32, #tpu.memory_space<vmem>>, vector<1x16xf32>,
          %get3A_504 = vector.shape_cast %get3A_503 : vector<1x16xf32> to vector<16xf32>
          %add3A_505 = arith.addf %add3A_498, %get3A_504 : vector<16xf32>
          %add3A_506 = arith.constant 4 : i32
          %add3A_507 = arith.addi %mul3A_300, %add3A_506 : i32
          %get3A_508 = arith.index_cast %add3A_507 : i32 to index
          %get3A_509 = arith.index_cast %mul3A_475 : i32 to index
          %get3A_510 = tpu.vector_load %arg4[%get3A_508, %get3A_509] {strides = array<i32>} : memref<16x6272xf32, #tpu.memory_space<vmem>>, vector<1x16xf32>,
          %get3A_511 = vector.shape_cast %get3A_510 : vector<1x16xf32> to vector<16xf32>
          %add3A_512 = arith.addf %add3A_505, %get3A_511 : vector<16xf32>
          %add3A_513 = arith.constant 5 : i32
          %add3A_514 = arith.addi %mul3A_300, %add3A_513 : i32
          %get3A_515 = arith.index_cast %add3A_514 : i32 to index
          %get3A_516 = arith.index_cast %mul3A_475 : i32 to index
          %get3A_517 = tpu.vector_load %arg4[%get3A_515, %get3A_516] {strides = array<i32>} : memref<16x6272xf32, #tpu.memory_space<vmem>>, vector<1x16xf32>,
          %get3A_518 = vector.shape_cast %get3A_517 : vector<1x16xf32> to vector<16xf32>
          %add3A_519 = arith.addf %add3A_512, %get3A_518 : vector<16xf32>
          %add3A_520 = arith.constant 6 : i32
          %add3A_521 = arith.addi %mul3A_300, %add3A_520 : i32
          %get3A_522 = arith.index_cast %add3A_521 : i32 to index
          %get3A_523 = arith.index_cast %mul3A_475 : i32 to index
          %get3A_524 = tpu.vector_load %arg4[%get3A_522, %get3A_523] {strides = array<i32>} : memref<16x6272xf32, #tpu.memory_space<vmem>>, vector<1x16xf32>,
          %get3A_525 = vector.shape_cast %get3A_524 : vector<1x16xf32> to vector<16xf32>
          %add3A_526 = arith.addf %add3A_519, %get3A_525 : vector<16xf32>
          %add3A_527 = arith.constant 7 : i32
          %add3A_528 = arith.addi %mul3A_300, %add3A_527 : i32
          %get3A_529 = arith.index_cast %add3A_528 : i32 to index
          %get3A_530 = arith.index_cast %mul3A_475 : i32 to index
          %get3A_531 = tpu.vector_load %arg4[%get3A_529, %get3A_530] {strides = array<i32>} : memref<16x6272xf32, #tpu.memory_space<vmem>>, vector<1x16xf32>,
          %get3A_532 = vector.shape_cast %get3A_531 : vector<1x16xf32> to vector<16xf32>
          %add3A_533 = arith.addf %add3A_526, %get3A_532 : vector<16xf32>
          %swap3A = arith.index_cast %mul3A_475 : i32 to index
          %swap3A_534 = tpu.vector_load %arg5[%swap3A] {strides = array<i32>} : memref<6272xf32, #tpu.memory_space<vmem>>, vector<16xf32>,
          %swap3A_535 = vector.shape_cast %swap3A_534 : vector<16xf32> to vector<16xf32>
          %swap3A_536 = vector.shape_cast %add3A_533 : vector<16xf32> to vector<16xf32>
          tpu.vector_store %arg5[%swap3A], %swap3A_536 {strides = array<i32>} : memref<6272xf32, #tpu.memory_space<vmem>>, vector<16xf32>,
        }
        %scan3A_465 = arith.constant 392 : i32
        %add3A_466 = arith.constant 2 : i32
        %add3A_467 = arith.addi %scan3A_296, %add3A_466 : i32
        %lt3A_468 = arith.constant 2 : i32
        %lt3A_469 = arith.cmpi slt, %add3A_467, %lt3A_468 : i32
        %convert_element_type3A_470 = arith.extui %lt3A_469 : i1 to i32
        %cond3A_471 = arith.constant 0 : i32
        %cond3A_472 = arith.cmpi ne, %convert_element_type3A_470, %cond3A_471 : i32
        scf.if %cond3A_472 {
          %add3A_473 = arith.constant 2 : i32
          %add3A_474 = arith.addi %scan3A_296, %add3A_473 : i32
          %rem3A_475 = arith.constant 2 : i32
          %rem3A_476 = arith.remsi %add3A_474, %rem3A_475 : i32
          %mul3A_477 = arith.constant 8 : i32
          %mul3A_478 = arith.muli %rem3A_476, %mul3A_477 : i32
          %mul3A_479 = arith.constant 8 : i32
          %mul3A_480 = arith.muli %add3A_474, %mul3A_479 : i32
          %add3A_481 = arith.constant 752 : i32
          %add3A_482 = arith.addi %add3A_481, %mul3A_480 : i32
          %add3A_483 = arith.constant 0 : i32
          %add3A_484 = arith.addi %add3A_482, %add3A_483 : i32
          %add3A_485 = arith.constant 0 : i32
          %add3A_486 = arith.addi %mul3A_478, %add3A_485 : i32
          %dma_start3A_487 = arith.constant 0 : i32
          %dma_start3A_488 = tpu.memref_slice %arg4[%add3A_486, %dma_start3A_487] : memref<16x6272xf32, #tpu.memory_space<vmem>> -> memref<1x6272xf32, #tpu.memory_space<vmem>>
          %dma_start3A_489 = tpu.memref_squeeze %dma_start3A_488 : memref<1x6272xf32, #tpu.memory_space<vmem>> -> memref<6272xf32, #tpu.memory_space<vmem>>
          %dma_start3A_490 = tpu.memref_slice %arg2[%select_n3A, %add3A_484, %mul3A_32] : memref<4x768x50176xf32, #tpu.memory_space<hbm>> -> memref<1x1x6272xf32, #tpu.memory_space<hbm>>
          %dma_start3A_491 = tpu.memref_squeeze %dma_start3A_490 : memref<1x1x6272xf32, #tpu.memory_space<hbm>> -> memref<6272xf32, #tpu.memory_space<hbm>>
          %dma_start3A_492 = tpu.memref_slice %arg6[%add3A_486] : memref<16x!tpu.dma_semaphore, #tpu.memory_space<semaphore_mem>> -> memref<1x!tpu.dma_semaphore, #tpu.memory_space<semaphore_mem>>
          %dma_start3A_493 = tpu.memref_squeeze %dma_start3A_492 : memref<1x!tpu.dma_semaphore, #tpu.memory_space<semaphore_mem>> -> memref<!tpu.dma_semaphore, #tpu.memory_space<semaphore_mem>>
          %dma_start3A_494 = arith.constant 0 : i32
          %dma_start3A_495 = tpu.memref_slice %arg4[%add3A_486, %dma_start3A_494] : memref<16x6272xf32, #tpu.memory_space<vmem>> -> memref<1x6272xf32, #tpu.memory_space<vmem>>
          %dma_start3A_496 = tpu.memref_squeeze %dma_start3A_495 : memref<1x6272xf32, #tpu.memory_space<vmem>> -> memref<6272xf32, #tpu.memory_space<vmem>>
          %dma_start3A_497 = tpu.memref_slice %arg2[%select_n3A, %add3A_484, %mul3A_32] : memref<4x768x50176xf32, #tpu.memory_space<hbm>> -> memref<1x1x6272xf32, #tpu.memory_space<hbm>>
          %dma_start3A_498 = tpu.memref_squeeze %dma_start3A_497 : memref<1x1x6272xf32, #tpu.memory_space<hbm>> -> memref<6272xf32, #tpu.memory_space<hbm>>
          tpu.enqueue_dma source(%dma_start3A_498 : memref<6272xf32, #tpu.memory_space<hbm>>) target(%dma_start3A_496 : memref<6272xf32, #tpu.memory_space<vmem>>) target_semaphore(%dma_start3A_493 : memref<!tpu.dma_semaphore, #tpu.memory_space<semaphore_mem>>)
          %mul3A_499 = arith.constant 8 : i32
          %mul3A_500 = arith.muli %add3A_474, %mul3A_499 : i32
          %add3A_501 = arith.constant 752 : i32
          %add3A_502 = arith.addi %add3A_501, %mul3A_500 : i32
          %add3A_503 = arith.constant 1 : i32
          %add3A_504 = arith.addi %add3A_502, %add3A_503 : i32
          %add3A_505 = arith.constant 1 : i32
          %add3A_506 = arith.addi %mul3A_478, %add3A_505 : i32
          %dma_start3A_507 = arith.constant 0 : i32
          %dma_start3A_508 = tpu.memref_slice %arg4[%add3A_506, %dma_start3A_507] : memref<16x6272xf32, #tpu.memory_space<vmem>> -> memref<1x6272xf32, #tpu.memory_space<vmem>>
          %dma_start3A_509 = tpu.memref_squeeze %dma_start3A_508 : memref<1x6272xf32, #tpu.memory_space<vmem>> -> memref<6272xf32, #tpu.memory_space<vmem>>
          %dma_start3A_510 = tpu.memref_slice %arg2[%select_n3A, %add3A_504, %mul3A_32] : memref<4x768x50176xf32, #tpu.memory_space<hbm>> -> memref<1x1x6272xf32, #tpu.memory_space<hbm>>
          %dma_start3A_511 = tpu.memref_squeeze %dma_start3A_510 : memref<1x1x6272xf32, #tpu.memory_space<hbm>> -> memref<6272xf32, #tpu.memory_space<hbm>>
          %dma_start3A_512 = tpu.memref_slice %arg6[%add3A_506] : memref<16x!tpu.dma_semaphore, #tpu.memory_space<semaphore_mem>> -> memref<1x!tpu.dma_semaphore, #tpu.memory_space<semaphore_mem>>
          %dma_start3A_513 = tpu.memref_squeeze %dma_start3A_512 : memref<1x!tpu.dma_semaphore, #tpu.memory_space<semaphore_mem>> -> memref<!tpu.dma_semaphore, #tpu.memory_space<semaphore_mem>>
          %dma_start3A_514 = arith.constant 0 : i32
          %dma_start3A_515 = tpu.memref_slice %arg4[%add3A_506, %dma_start3A_514] : memref<16x6272xf32, #tpu.memory_space<vmem>> -> memref<1x6272xf32, #tpu.memory_space<vmem>>
          %dma_start3A_516 = tpu.memref_squeeze %dma_start3A_515 : memref<1x6272xf32, #tpu.memory_space<vmem>> -> memref<6272xf32, #tpu.memory_space<vmem>>
          %dma_start3A_517 = tpu.memref_slice %arg2[%select_n3A, %add3A_504, %mul3A_32] : memref<4x768x50176xf32, #tpu.memory_space<hbm>> -> memref<1x1x6272xf32, #tpu.memory_space<hbm>>
          %dma_start3A_518 = tpu.memref_squeeze %dma_start3A_517 : memref<1x1x6272xf32, #tpu.memory_space<hbm>> -> memref<6272xf32, #tpu.memory_space<hbm>>
          tpu.enqueue_dma source(%dma_start3A_518 : memref<6272xf32, #tpu.memory_space<hbm>>) target(%dma_start3A_516 : memref<6272xf32, #tpu.memory_space<vmem>>) target_semaphore(%dma_start3A_513 : memref<!tpu.dma_semaphore, #tpu.memory_space<semaphore_mem>>)
          %mul3A_519 = arith.constant 8 : i32
          %mul3A_520 = arith.muli %add3A_474, %mul3A_519 : i32
          %add3A_521 = arith.constant 752 : i32
          %add3A_522 = arith.addi %add3A_521, %mul3A_520 : i32
          %add3A_523 = arith.constant 2 : i32
          %add3A_524 = arith.addi %add3A_522, %add3A_523 : i32
          %add3A_525 = arith.constant 2 : i32
          %add3A_526 = arith.addi %mul3A_478, %add3A_525 : i32
          %dma_start3A_527 = arith.constant 0 : i32
          %dma_start3A_528 = tpu.memref_slice %arg4[%add3A_526, %dma_start3A_527] : memref<16x6272xf32, #tpu.memory_space<vmem>> -> memref<1x6272xf32, #tpu.memory_space<vmem>>
          %dma_start3A_529 = tpu.memref_squeeze %dma_start3A_528 : memref<1x6272xf32, #tpu.memory_space<vmem>> -> memref<6272xf32, #tpu.memory_space<vmem>>
          %dma_start3A_530 = tpu.memref_slice %arg2[%select_n3A, %add3A_524, %mul3A_32] : memref<4x768x50176xf32, #tpu.memory_space<hbm>> -> memref<1x1x6272xf32, #tpu.memory_space<hbm>>
          %dma_start3A_531 = tpu.memref_squeeze %dma_start3A_530 : memref<1x1x6272xf32, #tpu.memory_space<hbm>> -> memref<6272xf32, #tpu.memory_space<hbm>>
          %dma_start3A_532 = tpu.memref_slice %arg6[%add3A_526] : memref<16x!tpu.dma_semaphore, #tpu.memory_space<semaphore_mem>> -> memref<1x!tpu.dma_semaphore, #tpu.memory_space<semaphore_mem>>
          %dma_start3A_533 = tpu.memref_squeeze %dma_start3A_532 : memref<1x!tpu.dma_semaphore, #tpu.memory_space<semaphore_mem>> -> memref<!tpu.dma_semaphore, #tpu.memory_space<semaphore_mem>>
          %dma_start3A_534 = arith.constant 0 : i32
          %dma_start3A_535 = tpu.memref_slice %arg4[%add3A_526, %dma_start3A_534] : memref<16x6272xf32, #tpu.memory_space<vmem>> -> memref<1x6272xf32, #tpu.memory_space<vmem>>
          %dma_start3A_536 = tpu.memref_squeeze %dma_start3A_535 : memref<1x6272xf32, #tpu.memory_space<vmem>> -> memref<6272xf32, #tpu.memory_space<vmem>>
          %dma_start3A_537 = tpu.memref_slice %arg2[%select_n3A, %add3A_524, %mul3A_32] : memref<4x768x50176xf32, #tpu.memory_space<hbm>> -> memref<1x1x6272xf32, #tpu.memory_space<hbm>>
          %dma_start3A_538 = tpu.memref_squeeze %dma_start3A_537 : memref<1x1x6272xf32, #tpu.memory_space<hbm>> -> memref<6272xf32, #tpu.memory_space<hbm>>
          tpu.enqueue_dma source(%dma_start3A_538 : memref<6272xf32, #tpu.memory_space<hbm>>) target(%dma_start3A_536 : memref<6272xf32, #tpu.memory_space<vmem>>) target_semaphore(%dma_start3A_533 : memref<!tpu.dma_semaphore, #tpu.memory_space<semaphore_mem>>)
          %mul3A_539 = arith.constant 8 : i32
          %mul3A_540 = arith.muli %add3A_474, %mul3A_539 : i32
          %add3A_541 = arith.constant 752 : i32
          %add3A_542 = arith.addi %add3A_541, %mul3A_540 : i32
          %add3A_543 = arith.constant 3 : i32
          %add3A_544 = arith.addi %add3A_542, %add3A_543 : i32
          %add3A_545 = arith.constant 3 : i32
          %add3A_546 = arith.addi %mul3A_478, %add3A_545 : i32
          %dma_start3A_547 = arith.constant 0 : i32
          %dma_start3A_548 = tpu.memref_slice %arg4[%add3A_546, %dma_start3A_547] : memref<16x6272xf32, #tpu.memory_space<vmem>> -> memref<1x6272xf32, #tpu.memory_space<vmem>>
          %dma_start3A_549 = tpu.memref_squeeze %dma_start3A_548 : memref<1x6272xf32, #tpu.memory_space<vmem>> -> memref<6272xf32, #tpu.memory_space<vmem>>
          %dma_start3A_550 = tpu.memref_slice %arg2[%select_n3A, %add3A_544, %mul3A_32] : memref<4x768x50176xf32, #tpu.memory_space<hbm>> -> memref<1x1x6272xf32, #tpu.memory_space<hbm>>
          %dma_start3A_551 = tpu.memref_squeeze %dma_start3A_550 : memref<1x1x6272xf32, #tpu.memory_space<hbm>> -> memref<6272xf32, #tpu.memory_space<hbm>>
          %dma_start3A_552 = tpu.memref_slice %arg6[%add3A_546] : memref<16x!tpu.dma_semaphore, #tpu.memory_space<semaphore_mem>> -> memref<1x!tpu.dma_semaphore, #tpu.memory_space<semaphore_mem>>
          %dma_start3A_553 = tpu.memref_squeeze %dma_start3A_552 : memref<1x!tpu.dma_semaphore, #tpu.memory_space<semaphore_mem>> -> memref<!tpu.dma_semaphore, #tpu.memory_space<semaphore_mem>>
          %dma_start3A_554 = arith.constant 0 : i32
          %dma_start3A_555 = tpu.memref_slice %arg4[%add3A_546, %dma_start3A_554] : memref<16x6272xf32, #tpu.memory_space<vmem>> -> memref<1x6272xf32, #tpu.memory_space<vmem>>
          %dma_start3A_556 = tpu.memref_squeeze %dma_start3A_555 : memref<1x6272xf32, #tpu.memory_space<vmem>> -> memref<6272xf32, #tpu.memory_space<vmem>>
          %dma_start3A_557 = tpu.memref_slice %arg2[%select_n3A, %add3A_544, %mul3A_32] : memref<4x768x50176xf32, #tpu.memory_space<hbm>> -> memref<1x1x6272xf32, #tpu.memory_space<hbm>>
          %dma_start3A_558 = tpu.memref_squeeze %dma_start3A_557 : memref<1x1x6272xf32, #tpu.memory_space<hbm>> -> memref<6272xf32, #tpu.memory_space<hbm>>
          tpu.enqueue_dma source(%dma_start3A_558 : memref<6272xf32, #tpu.memory_space<hbm>>) target(%dma_start3A_556 : memref<6272xf32, #tpu.memory_space<vmem>>) target_semaphore(%dma_start3A_553 : memref<!tpu.dma_semaphore, #tpu.memory_space<semaphore_mem>>)
          %mul3A_559 = arith.constant 8 : i32
          %mul3A_560 = arith.muli %add3A_474, %mul3A_559 : i32
          %add3A_561 = arith.constant 752 : i32
          %add3A_562 = arith.addi %add3A_561, %mul3A_560 : i32
          %add3A_563 = arith.constant 4 : i32
          %add3A_564 = arith.addi %add3A_562, %add3A_563 : i32
          %add3A_565 = arith.constant 4 : i32
          %add3A_566 = arith.addi %mul3A_478, %add3A_565 : i32
          %dma_start3A_567 = arith.constant 0 : i32
          %dma_start3A_568 = tpu.memref_slice %arg4[%add3A_566, %dma_start3A_567] : memref<16x6272xf32, #tpu.memory_space<vmem>> -> memref<1x6272xf32, #tpu.memory_space<vmem>>
          %dma_start3A_569 = tpu.memref_squeeze %dma_start3A_568 : memref<1x6272xf32, #tpu.memory_space<vmem>> -> memref<6272xf32, #tpu.memory_space<vmem>>
          %dma_start3A_570 = tpu.memref_slice %arg2[%select_n3A, %add3A_564, %mul3A_32] : memref<4x768x50176xf32, #tpu.memory_space<hbm>> -> memref<1x1x6272xf32, #tpu.memory_space<hbm>>
          %dma_start3A_571 = tpu.memref_squeeze %dma_start3A_570 : memref<1x1x6272xf32, #tpu.memory_space<hbm>> -> memref<6272xf32, #tpu.memory_space<hbm>>
          %dma_start3A_572 = tpu.memref_slice %arg6[%add3A_566] : memref<16x!tpu.dma_semaphore, #tpu.memory_space<semaphore_mem>> -> memref<1x!tpu.dma_semaphore, #tpu.memory_space<semaphore_mem>>
          %dma_start3A_573 = tpu.memref_squeeze %dma_start3A_572 : memref<1x!tpu.dma_semaphore, #tpu.memory_space<semaphore_mem>> -> memref<!tpu.dma_semaphore, #tpu.memory_space<semaphore_mem>>
          %dma_start3A_574 = arith.constant 0 : i32
          %dma_start3A_575 = tpu.memref_slice %arg4[%add3A_566, %dma_start3A_574] : memref<16x6272xf32, #tpu.memory_space<vmem>> -> memref<1x6272xf32, #tpu.memory_space<vmem>>
          %dma_start3A_576 = tpu.memref_squeeze %dma_start3A_575 : memref<1x6272xf32, #tpu.memory_space<vmem>> -> memref<6272xf32, #tpu.memory_space<vmem>>
          %dma_start3A_577 = tpu.memref_slice %arg2[%select_n3A, %add3A_564, %mul3A_32] : memref<4x768x50176xf32, #tpu.memory_space<hbm>> -> memref<1x1x6272xf32, #tpu.memory_space<hbm>>
          %dma_start3A_578 = tpu.memref_squeeze %dma_start3A_577 : memref<1x1x6272xf32, #tpu.memory_space<hbm>> -> memref<6272xf32, #tpu.memory_space<hbm>>
          tpu.enqueue_dma source(%dma_start3A_578 : memref<6272xf32, #tpu.memory_space<hbm>>) target(%dma_start3A_576 : memref<6272xf32, #tpu.memory_space<vmem>>) target_semaphore(%dma_start3A_573 : memref<!tpu.dma_semaphore, #tpu.memory_space<semaphore_mem>>)
          %mul3A_579 = arith.constant 8 : i32
          %mul3A_580 = arith.muli %add3A_474, %mul3A_579 : i32
          %add3A_581 = arith.constant 752 : i32
          %add3A_582 = arith.addi %add3A_581, %mul3A_580 : i32
          %add3A_583 = arith.constant 5 : i32
          %add3A_584 = arith.addi %add3A_582, %add3A_583 : i32
          %add3A_585 = arith.constant 5 : i32
          %add3A_586 = arith.addi %mul3A_478, %add3A_585 : i32
          %dma_start3A_587 = arith.constant 0 : i32
          %dma_start3A_588 = tpu.memref_slice %arg4[%add3A_586, %dma_start3A_587] : memref<16x6272xf32, #tpu.memory_space<vmem>> -> memref<1x6272xf32, #tpu.memory_space<vmem>>
          %dma_start3A_589 = tpu.memref_squeeze %dma_start3A_588 : memref<1x6272xf32, #tpu.memory_space<vmem>> -> memref<6272xf32, #tpu.memory_space<vmem>>
          %dma_start3A_590 = tpu.memref_slice %arg2[%select_n3A, %add3A_584, %mul3A_32] : memref<4x768x50176xf32, #tpu.memory_space<hbm>> -> memref<1x1x6272xf32, #tpu.memory_space<hbm>>
          %dma_start3A_591 = tpu.memref_squeeze %dma_start3A_590 : memref<1x1x6272xf32, #tpu.memory_space<hbm>> -> memref<6272xf32, #tpu.memory_space<hbm>>
          %dma_start3A_592 = tpu.memref_slice %arg6[%add3A_586] : memref<16x!tpu.dma_semaphore, #tpu.memory_space<semaphore_mem>> -> memref<1x!tpu.dma_semaphore, #tpu.memory_space<semaphore_mem>>
          %dma_start3A_593 = tpu.memref_squeeze %dma_start3A_592 : memref<1x!tpu.dma_semaphore, #tpu.memory_space<semaphore_mem>> -> memref<!tpu.dma_semaphore, #tpu.memory_space<semaphore_mem>>
          %dma_start3A_594 = arith.constant 0 : i32
          %dma_start3A_595 = tpu.memref_slice %arg4[%add3A_586, %dma_start3A_594] : memref<16x6272xf32, #tpu.memory_space<vmem>> -> memref<1x6272xf32, #tpu.memory_space<vmem>>
          %dma_start3A_596 = tpu.memref_squeeze %dma_start3A_595 : memref<1x6272xf32, #tpu.memory_space<vmem>> -> memref<6272xf32, #tpu.memory_space<vmem>>
          %dma_start3A_597 = tpu.memref_slice %arg2[%select_n3A, %add3A_584, %mul3A_32] : memref<4x768x50176xf32, #tpu.memory_space<hbm>> -> memref<1x1x6272xf32, #tpu.memory_space<hbm>>
          %dma_start3A_598 = tpu.memref_squeeze %dma_start3A_597 : memref<1x1x6272xf32, #tpu.memory_space<hbm>> -> memref<6272xf32, #tpu.memory_space<hbm>>
          tpu.enqueue_dma source(%dma_start3A_598 : memref<6272xf32, #tpu.memory_space<hbm>>) target(%dma_start3A_596 : memref<6272xf32, #tpu.memory_space<vmem>>) target_semaphore(%dma_start3A_593 : memref<!tpu.dma_semaphore, #tpu.memory_space<semaphore_mem>>)
          %mul3A_599 = arith.constant 8 : i32
          %mul3A_600 = arith.muli %add3A_474, %mul3A_599 : i32
          %add3A_601 = arith.constant 752 : i32
          %add3A_602 = arith.addi %add3A_601, %mul3A_600 : i32
          %add3A_603 = arith.constant 6 : i32
          %add3A_604 = arith.addi %add3A_602, %add3A_603 : i32
          %add3A_605 = arith.constant 6 : i32
          %add3A_606 = arith.addi %mul3A_478, %add3A_605 : i32
          %dma_start3A_607 = arith.constant 0 : i32
          %dma_start3A_608 = tpu.memref_slice %arg4[%add3A_606, %dma_start3A_607] : memref<16x6272xf32, #tpu.memory_space<vmem>> -> memref<1x6272xf32, #tpu.memory_space<vmem>>
          %dma_start3A_609 = tpu.memref_squeeze %dma_start3A_608 : memref<1x6272xf32, #tpu.memory_space<vmem>> -> memref<6272xf32, #tpu.memory_space<vmem>>
          %dma_start3A_610 = tpu.memref_slice %arg2[%select_n3A, %add3A_604, %mul3A_32] : memref<4x768x50176xf32, #tpu.memory_space<hbm>> -> memref<1x1x6272xf32, #tpu.memory_space<hbm>>
          %dma_start3A_611 = tpu.memref_squeeze %dma_start3A_610 : memref<1x1x6272xf32, #tpu.memory_space<hbm>> -> memref<6272xf32, #tpu.memory_space<hbm>>
          %dma_start3A_612 = tpu.memref_slice %arg6[%add3A_606] : memref<16x!tpu.dma_semaphore, #tpu.memory_space<semaphore_mem>> -> memref<1x!tpu.dma_semaphore, #tpu.memory_space<semaphore_mem>>
          %dma_start3A_613 = tpu.memref_squeeze %dma_start3A_612 : memref<1x!tpu.dma_semaphore, #tpu.memory_space<semaphore_mem>> -> memref<!tpu.dma_semaphore, #tpu.memory_space<semaphore_mem>>
          %dma_start3A_614 = arith.constant 0 : i32
          %dma_start3A_615 = tpu.memref_slice %arg4[%add3A_606, %dma_start3A_614] : memref<16x6272xf32, #tpu.memory_space<vmem>> -> memref<1x6272xf32, #tpu.memory_space<vmem>>
          %dma_start3A_616 = tpu.memref_squeeze %dma_start3A_615 : memref<1x6272xf32, #tpu.memory_space<vmem>> -> memref<6272xf32, #tpu.memory_space<vmem>>
          %dma_start3A_617 = tpu.memref_slice %arg2[%select_n3A, %add3A_604, %mul3A_32] : memref<4x768x50176xf32, #tpu.memory_space<hbm>> -> memref<1x1x6272xf32, #tpu.memory_space<hbm>>
          %dma_start3A_618 = tpu.memref_squeeze %dma_start3A_617 : memref<1x1x6272xf32, #tpu.memory_space<hbm>> -> memref<6272xf32, #tpu.memory_space<hbm>>
          tpu.enqueue_dma source(%dma_start3A_618 : memref<6272xf32, #tpu.memory_space<hbm>>) target(%dma_start3A_616 : memref<6272xf32, #tpu.memory_space<vmem>>) target_semaphore(%dma_start3A_613 : memref<!tpu.dma_semaphore, #tpu.memory_space<semaphore_mem>>)
          %mul3A_619 = arith.constant 8 : i32
          %mul3A_620 = arith.muli %add3A_474, %mul3A_619 : i32
          %add3A_621 = arith.constant 752 : i32
          %add3A_622 = arith.addi %add3A_621, %mul3A_620 : i32
          %add3A_623 = arith.constant 7 : i32
          %add3A_624 = arith.addi %add3A_622, %add3A_623 : i32
          %add3A_625 = arith.constant 7 : i32
          %add3A_626 = arith.addi %mul3A_478, %add3A_625 : i32
          %dma_start3A_627 = arith.constant 0 : i32
          %dma_start3A_628 = tpu.memref_slice %arg4[%add3A_626, %dma_start3A_627] : memref<16x6272xf32, #tpu.memory_space<vmem>> -> memref<1x6272xf32, #tpu.memory_space<vmem>>
          %dma_start3A_629 = tpu.memref_squeeze %dma_start3A_628 : memref<1x6272xf32, #tpu.memory_space<vmem>> -> memref<6272xf32, #tpu.memory_space<vmem>>
          %dma_start3A_630 = tpu.memref_slice %arg2[%select_n3A, %add3A_624, %mul3A_32] : memref<4x768x50176xf32, #tpu.memory_space<hbm>> -> memref<1x1x6272xf32, #tpu.memory_space<hbm>>
          %dma_start3A_631 = tpu.memref_squeeze %dma_start3A_630 : memref<1x1x6272xf32, #tpu.memory_space<hbm>> -> memref<6272xf32, #tpu.memory_space<hbm>>
          %dma_start3A_632 = tpu.memref_slice %arg6[%add3A_626] : memref<16x!tpu.dma_semaphore, #tpu.memory_space<semaphore_mem>> -> memref<1x!tpu.dma_semaphore, #tpu.memory_space<semaphore_mem>>
          %dma_start3A_633 = tpu.memref_squeeze %dma_start3A_632 : memref<1x!tpu.dma_semaphore, #tpu.memory_space<semaphore_mem>> -> memref<!tpu.dma_semaphore, #tpu.memory_space<semaphore_mem>>
          %dma_start3A_634 = arith.constant 0 : i32
          %dma_start3A_635 = tpu.memref_slice %arg4[%add3A_626, %dma_start3A_634] : memref<16x6272xf32, #tpu.memory_space<vmem>> -> memref<1x6272xf32, #tpu.memory_space<vmem>>
          %dma_start3A_636 = tpu.memref_squeeze %dma_start3A_635 : memref<1x6272xf32, #tpu.memory_space<vmem>> -> memref<6272xf32, #tpu.memory_space<vmem>>
          %dma_start3A_637 = tpu.memref_slice %arg2[%select_n3A, %add3A_624, %mul3A_32] : memref<4x768x50176xf32, #tpu.memory_space<hbm>> -> memref<1x1x6272xf32, #tpu.memory_space<hbm>>
          %dma_start3A_638 = tpu.memref_squeeze %dma_start3A_637 : memref<1x1x6272xf32, #tpu.memory_space<hbm>> -> memref<6272xf32, #tpu.memory_space<hbm>>
          tpu.enqueue_dma source(%dma_start3A_638 : memref<6272xf32, #tpu.memory_space<hbm>>) target(%dma_start3A_636 : memref<6272xf32, #tpu.memory_space<vmem>>) target_semaphore(%dma_start3A_633 : memref<!tpu.dma_semaphore, #tpu.memory_space<semaphore_mem>>)
        } else {
        }
      }
      %scan3A_295 = arith.constant 2 : i32
      "tpu.region"() ({
        %run_scoped3A = tpu.sem_alloc : memref<!tpu.dma_semaphore, #tpu.memory_space<semaphore_mem>>
        %dma_start3A_296 = tpu.memref_slice %arg3[%select_n3A, %mul3A_32] : memref<4x50176xf32, #tpu.memory_space<hbm>> -> memref<1x6272xf32, #tpu.memory_space<hbm>>
        %dma_start3A_297 = tpu.memref_squeeze %dma_start3A_296 : memref<1x6272xf32, #tpu.memory_space<hbm>> -> memref<6272xf32, #tpu.memory_space<hbm>>
        %dma_start3A_298 = tpu.memref_slice %arg3[%select_n3A, %mul3A_32] : memref<4x50176xf32, #tpu.memory_space<hbm>> -> memref<1x6272xf32, #tpu.memory_space<hbm>>
        %dma_start3A_299 = tpu.memref_squeeze %dma_start3A_298 : memref<1x6272xf32, #tpu.memory_space<hbm>> -> memref<6272xf32, #tpu.memory_space<hbm>>
        tpu.enqueue_dma source(%arg5 : memref<6272xf32, #tpu.memory_space<vmem>>) target(%dma_start3A_299 : memref<6272xf32, #tpu.memory_space<hbm>>) target_semaphore(%run_scoped3A : memref<!tpu.dma_semaphore, #tpu.memory_space<semaphore_mem>>)
        %dma_wait3A = tpu.memref_slice %arg3[%select_n3A, %mul3A_32] : memref<4x50176xf32, #tpu.memory_space<hbm>> -> memref<1x6272xf32, #tpu.memory_space<hbm>>
        %dma_wait3A_300 = tpu.memref_squeeze %dma_wait3A : memref<1x6272xf32, #tpu.memory_space<hbm>> -> memref<6272xf32, #tpu.memory_space<hbm>>
        %dma_wait3A_301 = tpu.memref_slice %arg3[%select_n3A, %mul3A_32] : memref<4x50176xf32, #tpu.memory_space<hbm>> -> memref<1x6272xf32, #tpu.memory_space<hbm>>
        %dma_wait3A_302 = tpu.memref_squeeze %dma_wait3A_301 : memref<1x6272xf32, #tpu.memory_space<hbm>> -> memref<6272xf32, #tpu.memory_space<hbm>>
        tpu.wait_dma2 semaphore(%run_scoped3A : memref<!tpu.dma_semaphore, #tpu.memory_space<semaphore_mem>>) src(%arg5 : memref<6272xf32, #tpu.memory_space<vmem>>) dst(%dma_wait3A_302 : memref<6272xf32, #tpu.memory_space<hbm>>)
        tpu.yield
      }) : () -> ()
    } else {
    }
    return
  }
}

module attributes {stable_mosaic.version = 14 : i64} {
  func.func @_tc_sum_kernel(%arg0: i32, %arg1: memref<4x16x392x128xf32, #tpu.memory_space<vmem>>, %arg2: memref<4x392x128xf32, #tpu.memory_space<vmem>>, %arg3: memref<4x392x128xf32, #tpu.memory_space<vmem>>) attributes {dimension_semantics = [#tpu.dimension_semantics<arbitrary>], iteration_bounds = array<i64: 47>, scalar_prefetch = 0 : i64, scratch_operands = 1 : i64, tpu.core_type = #tpu.core_type<tc>, window_params = [{transform_indices = @transform_0, window_bounds = array<i64: 4, 16, 392, 128>}, {pipeline_mode = #tpu.pipeline_mode<synchronous>, transform_indices = @transform_1, window_bounds = array<i64: 4, 392, 128>}]} {
    %eq3A = arith.constant 0 : i32
    %eq3A_0 = arith.cmpi eq, %arg0, %eq3A : i32
    %convert_element_type3A = arith.extui %eq3A_0 : i1 to i32
    %cond3A = arith.constant 0 : i32
    %cond3A_1 = arith.cmpi ne, %convert_element_type3A, %cond3A : i32
    scf.if %cond3A_1 {
      %broadcast_in_dim3A = arith.constant 0.000000e+00 : f32
      %broadcast_in_dim3A_19 = vector.broadcast %broadcast_in_dim3A : f32 to vector<4x392x128xf32>
      %swap3A_20 = arith.constant 0 : index
      %swap3A_21 = arith.constant 0 : index
      %swap3A_22 = arith.constant 0 : index
      %swap3A_23 = vector.load %arg3[%swap3A_20, %swap3A_21, %swap3A_22] : memref<4x392x128xf32, #tpu.memory_space<vmem>>, vector<4x392x128xf32>
      tpu.vector_store %arg3[%swap3A_20, %swap3A_21, %swap3A_22], %broadcast_in_dim3A_19 {strides = array<i32>} : memref<4x392x128xf32, #tpu.memory_space<vmem>>, vector<4x392x128xf32>,
    } else {
    }
    %get3A = arith.constant 0 : index
    %get3A_2 = arith.constant 0 : index
    %get3A_3 = arith.constant 0 : index
    %get3A_4 = vector.load %arg3[%get3A, %get3A_2, %get3A_3] : memref<4x392x128xf32, #tpu.memory_space<vmem>>, vector<4x392x128xf32>
    %get3A_5 = arith.constant 0 : index
    %get3A_6 = arith.constant 0 : index
    %get3A_7 = arith.constant 0 : index
    %get3A_8 = arith.constant 0 : index
    %get3A_9 = vector.load %arg1[%get3A_5, %get3A_6, %get3A_7, %get3A_8] : memref<4x16x392x128xf32, #tpu.memory_space<vmem>>, vector<4x16x392x128xf32>
    %reduce_sum3A = arith.constant dense<0.000000e+00> : vector<4x392x128xf32>
    %reduce_sum3A_10 = vector.multi_reduction <add>, %get3A_9, %reduce_sum3A [1] : vector<4x16x392x128xf32> to vector<4x392x128xf32>
    %add3A = arith.addf %get3A_4, %reduce_sum3A_10 : vector<4x392x128xf32>
    %swap3A = arith.constant 0 : index
    %swap3A_11 = arith.constant 0 : index
    %swap3A_12 = arith.constant 0 : index
    %swap3A_13 = vector.load %arg3[%swap3A, %swap3A_11, %swap3A_12] : memref<4x392x128xf32, #tpu.memory_space<vmem>>, vector<4x392x128xf32>
    tpu.vector_store %arg3[%swap3A, %swap3A_11, %swap3A_12], %add3A {strides = array<i32>} : memref<4x392x128xf32, #tpu.memory_space<vmem>>, vector<4x392x128xf32>,
    %eq3A_14 = arith.constant 46 : i32
    %eq3A_15 = arith.cmpi eq, %arg0, %eq3A_14 : i32
    %convert_element_type3A_16 = arith.extui %eq3A_15 : i1 to i32
    %cond3A_17 = arith.constant 0 : i32
    %cond3A_18 = arith.cmpi ne, %convert_element_type3A_16, %cond3A_17 : i32
    scf.if %cond3A_18 {
      %get3A_19 = arith.constant 0 : index
      %get3A_20 = arith.constant 0 : index
      %get3A_21 = arith.constant 0 : index
      %get3A_22 = vector.load %arg3[%get3A_19, %get3A_20, %get3A_21] : memref<4x392x128xf32, #tpu.memory_space<vmem>>, vector<4x392x128xf32>
      %swap3A_23 = arith.constant 0 : index
      %swap3A_24 = arith.constant 0 : index
      %swap3A_25 = arith.constant 0 : index
      %swap3A_26 = vector.load %arg2[%swap3A_23, %swap3A_24, %swap3A_25] : memref<4x392x128xf32, #tpu.memory_space<vmem>>, vector<4x392x128xf32>
      tpu.vector_store %arg2[%swap3A_23, %swap3A_24, %swap3A_25], %get3A_22 {strides = array<i32>} : memref<4x392x128xf32, #tpu.memory_space<vmem>>, vector<4x392x128xf32>,
    } else {
    }
    return
  }
  func.func @transform_0(%arg0: i32) -> (i32, i32, i32, i32) {
    %c0_i32 = arith.constant 0 : i32
    %c0_i32_0 = arith.constant 0 : i32
    %c0_i32_1 = arith.constant 0 : i32
    %c0_i32_2 = arith.constant 0 : i32
    return %c0_i32, %arg0, %c0_i32_0, %c0_i32_1 : i32, i32, i32, i32
  }
  func.func @transform_1(%arg0: i32) -> (i32, i32, i32) {
    %c0_i32 = arith.constant 0 : i32
    %c0_i32_0 = arith.constant 0 : i32
    %c0_i32_1 = arith.constant 0 : i32
    %c0_i32_2 = arith.constant 0 : i32
    return %c0_i32, %c0_i32_0, %c0_i32_1 : i32, i32, i32
  }
}

module attributes {stable_mosaic.version = 14 : i64} {
  func.func @_select_kernel(%arg0: memref<4x50176xf32, #tpu.memory_space<vmem>>, %arg1: memref<4x50176xf32, #tpu.memory_space<vmem>>, %arg2: memref<4x50176xf32, #tpu.memory_space<vmem>>) attributes {dimension_semantics = [], scalar_prefetch = 0 : i64, scratch_operands = 0 : i64, tpu.core_type = #tpu.core_type<tc>} {
    %get3A = arith.constant 0 : index
    %get3A_0 = arith.constant 0 : index
    %get3A_1 = vector.load %arg0[%get3A, %get3A_0] : memref<4x50176xf32, #tpu.memory_space<vmem>>, vector<4x50176xf32>
    %get3A_2 = arith.constant 0 : index
    %get3A_3 = arith.constant 0 : index
    %get3A_4 = vector.load %arg1[%get3A_2, %get3A_3] : memref<4x50176xf32, #tpu.memory_space<vmem>>, vector<4x50176xf32>
    %add3A = arith.addf %get3A_1, %get3A_4 : vector<4x50176xf32>
    %bitcast_convert_type3A = tpu.bitcast %add3A : vector<4x50176xf32> -> vector<4x50176xi32>
    %lt3A = arith.constant 0 : i32
    %lt3A_5 = vector.broadcast %lt3A : i32 to vector<4x50176xi32>
    %lt3A_6 = arith.cmpi slt, %bitcast_convert_type3A, %lt3A_5 : vector<4x50176xi32>
    %xor3A = arith.constant 2147483647 : i32
    %xor3A_7 = vector.broadcast %xor3A : i32 to vector<4x50176xi32>
    %xor3A_8 = arith.xori %bitcast_convert_type3A, %xor3A_7 : vector<4x50176xi32>
    %select_n3A = arith.select %lt3A_6, %xor3A_8, %bitcast_convert_type3A : vector<4x50176xi1>, vector<4x50176xi32>
    %bitcast_convert_type3A_9 = tpu.bitcast %select_n3A : vector<4x50176xi32> -> vector<4x50176xi32>
    %xor3A_10 = arith.constant -2147483648 : i32
    %xor3A_11 = vector.broadcast %xor3A_10 : i32 to vector<4x50176xi32>
    %xor3A_12 = arith.xori %bitcast_convert_type3A_9, %xor3A_11 : vector<4x50176xi32>
    %broadcast_in_dim3A = arith.constant 0 : i32
    %broadcast_in_dim3A_13 = vector.broadcast %broadcast_in_dim3A : i32 to vector<4x1xi32>
    %scan3A = arith.constant 0 : i32
    %scan3A_14 = arith.constant 32 : i32
    %scan3A_15 = arith.addi %scan3A, %scan3A_14 : i32
    %scan3A_16 = arith.constant 1 : i32
    %scan3A_17 = scf.for %scan3A_38 = %scan3A to %scan3A_15 step %scan3A_16 iter_args(%scan3A_39 = %broadcast_in_dim3A_13) -> (vector<4x1xi32>)  : i32 {
      %sub3A = arith.constant 31 : i32
      %sub3A_40 = arith.subi %sub3A, %scan3A_38 : i32
      %shift_left3A = arith.constant 1 : i32
      %shift_left3A_41 = arith.shli %shift_left3A, %sub3A_40 : i32
      %or3A = vector.broadcast %shift_left3A_41 : i32 to vector<4x1xi32>
      %or3A_42 = arith.ori %scan3A_39, %or3A : vector<4x1xi32>
      %ge3A_43 = vector.broadcast %or3A_42 : vector<4x1xi32> to vector<4x50176xi32>
      %ge3A_44 = arith.cmpi uge, %xor3A_12, %ge3A_43 : vector<4x50176xi32>
      %convert_element_type3A = arith.extui %ge3A_44 : vector<4x50176xi1> to vector<4x50176xi32>
      %reduce_sum3A = arith.constant dense<0> : vector<4xi32>
      %reduce_sum3A_45 = vector.multi_reduction <add>, %convert_element_type3A, %reduce_sum3A [1] : vector<4x50176xi32> to vector<4xi32>
      %broadcast_in_dim3A_46 = vector.shape_cast %reduce_sum3A_45 : vector<4xi32> to vector<4x1xi32>
      %ge3A_47 = arith.constant 35123 : i32
      %ge3A_48 = vector.broadcast %ge3A_47 : i32 to vector<4x1xi32>
      %ge3A_49 = arith.cmpi sge, %broadcast_in_dim3A_46, %ge3A_48 : vector<4x1xi32>
      %select_n3A_50 = arith.select %ge3A_49, %or3A_42, %scan3A_39 : vector<4x1xi1>, vector<4x1xi32>
      scf.yield %select_n3A_50 : vector<4x1xi32>
    }
    %scan3A_18 = arith.constant 32 : i32
    %xor3A_19 = arith.constant -2147483648 : i32
    %xor3A_20 = vector.broadcast %xor3A_19 : i32 to vector<4x1xi32>
    %xor3A_21 = arith.xori %scan3A_17, %xor3A_20 : vector<4x1xi32>
    %bitcast_convert_type3A_22 = tpu.bitcast %xor3A_21 : vector<4x1xi32> -> vector<4x1xi32>
    %lt3A_23 = arith.constant 0 : i32
    %lt3A_24 = vector.broadcast %lt3A_23 : i32 to vector<4x1xi32>
    %lt3A_25 = arith.cmpi slt, %bitcast_convert_type3A_22, %lt3A_24 : vector<4x1xi32>
    %xor3A_26 = arith.constant 2147483647 : i32
    %xor3A_27 = vector.broadcast %xor3A_26 : i32 to vector<4x1xi32>
    %xor3A_28 = arith.xori %bitcast_convert_type3A_22, %xor3A_27 : vector<4x1xi32>
    %select_n3A_29 = arith.select %lt3A_25, %xor3A_28, %bitcast_convert_type3A_22 : vector<4x1xi1>, vector<4x1xi32>
    %bitcast_convert_type3A_30 = tpu.bitcast %select_n3A_29 : vector<4x1xi32> -> vector<4x1xf32>
    %ge3A = vector.broadcast %bitcast_convert_type3A_30 : vector<4x1xf32> to vector<4x50176xf32>
    %ge3A_31 = arith.cmpf oge, %add3A, %ge3A : vector<4x50176xf32>
    %jit3A = arith.constant 8.000000e-01 : f32
    %jit3A_32 = arith.constant 1.200000e+00 : f32
    %broadcast_in_dim3A_33 = vector.broadcast %jit3A : f32 to vector<4x50176xf32>
    %broadcast_in_dim3A_34 = vector.broadcast %jit3A_32 : f32 to vector<4x50176xf32>
    %select_n3A_35 = arith.select %ge3A_31, %broadcast_in_dim3A_33, %broadcast_in_dim3A_34 : vector<4x50176xi1>, vector<4x50176xf32>
    %swap3A = arith.constant 0 : index
    %swap3A_36 = arith.constant 0 : index
    %swap3A_37 = vector.load %arg2[%swap3A, %swap3A_36] : memref<4x50176xf32, #tpu.memory_space<vmem>>, vector<4x50176xf32>
    tpu.vector_store %arg2[%swap3A, %swap3A_36], %select_n3A_35 {strides = array<i32>} : memref<4x50176xf32, #tpu.memory_space<vmem>>, vector<4x50176xf32>,
    return
  }
}

</mosaic_0001>

<sc_bundles>
// kernel: kernel.5.cloned.1.call-start
scs
__scs_entry_jumppad:
0x0: {  	(pc) =	sbr.rel $0x88, $3  }
0x1: {  	(tag) =	ssettag $0x0;
	lr =	simm.s32 $0x1  }
0x2: {  	[smem:$0x3FA0] =	sst lr;
	_ =	strace $0xD0000000  }
0x3: {  	_ = 	snop  }
0x4: {  	_ = 	snop  }
0x5: {  	_ = 	snop  }
0x6: {  	_ = 	snop  }
0x7: {  	_ = 	snop  }
__scs_overlays_trampoline_lowered:
0x8: {  	[smem:$0x3FAF] =	sst s0  }
0x9: {  	[smem:$0x3FB0] =	sst s1  }
0xa: {  	[smem:$0x3FB1] =	sst s2  }
0xb: {  	[smem:$0x3FB2] =	sst s3  }
0xc: {  	[smem:$0x3FB3] =	sst s4  }
0xd: {  	[smem:$0x3FB4] =	sst s5  }
0xe: {  	[smem:$0x3FB5] =	sst s6  }
0xf: {  	[smem:$0x3FB6] =	sst s7  }
0x10: {  	[smem:$0x3FB7] =	sst s8  }
0x11: {  	[smem:$0x3FB8] =	sst s9;
	s0 =	simm.s32 @!p0 $0x0  }
0x12: {  	s1 =	sld [smem:$0x3F9E];
	s0 =	simm.s32 @p0 $0x1  }
0x13: {  	[smem:$0x3FB9] =	sst s0;
	s0 =	simm.s32 @!p1 $0x0  }
0x14: {  	s2 =	sld [smem:$0x3F9D];
	s0 =	simm.s32 @p1 $0x1  }
0x15: {  	[smem:$0x3FBA] =	sst s0;
	s0 =	simm.s32 @!p2 $0x0  }
0x16: {  	s3 =	sld [smem:$0x3FDB];
	s0 =	simm.s32 @p2 $0x1  }
0x17: {  	s4 =	simm.s32 $0x1BF5;
	[smem:$0x3FBC] =	sst s0  }
0x18: {  	s0 =	sld [smem:$0x3F9F];
	_ =	swait.ge [sflag:s4], $0x0  }
0x19: {  	s7 =	sld [smem:$0x3FA0]  }
0x1a: {  	s8 =	sadd.s32 $0xFFFFE003, lr  }
0x1b: {  	s9 =	sadd.s32 $0xFFFFFEF7, lr;
	s5 =	simm.s32 $0xFFFFFFFF;
	p2 =	slt.u32 s8, $0xFFFFF086  }
0x1c: {  	p1 =	slt.u32 s9, $0xF7A;
	s5 =	simm.s32 @!p2 $0x0  }
0x1d: {  	s5 =	simm.s32 @p1 $0x1;
	p0 =	seq.s32 s7, s2  }
0x1e: {  	s7 =	smul.u32 @!p0 $0xF7A, s2;
	p2 =	seq.s32 @!p0 s5, $0x0  }
0x1f: {  	s9 =	smul.u32 $0xF7A, s1;
	s8 =	simm.s32 @!p0 $0x1BF5;
	p2 =	por !p2, p0  }
0x20: {  	[sflag:s8] =	ssyncset.s32 @!p0 $0xFFFFF086;
	s6 =	sadd.s32 @!p0 s3, s7;
	s7 =	simm.s32 @!p0 $0x108  }
0x21: {  	s3 =	sadd.s32 s3, s9;
	s6 =	sadd.s32 @!p0 $0x88, s6;
	s7 =	simm.s32 @p2 $0x1082  }
0x22: {  	[simem:s7], [sflag:s8] =	dma.local @!p0 [hbm:s6], $0xF7A  }
0x23: {  	s9 =	sor.u32 $0xD0000000, s2;
	s6 =	simm.s32 $0x108;
	_ =	swait.ge @!p0 [sflag:s8], $0x0  }
0x24: {  	s3 =	sadd.s32 $0x88, s3;
	s6 =	simm.s32 @!p1 $0x1082;
	[sflag:s4] =	ssyncset.s32 $0xFFFFF086  }
0x25: {  	[simem:s6], [sflag:s4] =	dma.local [hbm:s3], $0xF7A  }
0x26: {  	[smem:$0x3FA0] =	sst s1;
	(tag) =	ssettag s2;
	_ =	strace s9  }
0x27: {  	s1 =	sld [smem:$0x3FB0]  }
0x28: {  	s2 =	sld [smem:$0x3FB1]  }
0x29: {  	s4 =	sld [smem:$0x3FB3]  }
0x2a: {  	p0 =	seq.s32 s5, $0x0;
	s5 =	sld [smem:$0x3FB4]  }
0x2b: {  	s6 =	sld [smem:$0x3FB5]  }
0x2c: {  	s7 =	sld [smem:$0x3FB6]  }
0x2d: {  	s3 =	simm.s32 $0x108;
	s8 =	sld [smem:$0x3FB7]  }
0x2e: {  	s3 =	simm.s32 @!p0 $0x1082;
	s9 =	sld [smem:$0x3FB8]  }
0x2f: {  	lr =	sadd.s32 s0, s3;
	s0 =	sld [smem:$0x3FAF]  }
0x30: {  	s3 =	sld [smem:$0x3FB2]  }
0x31: {  	[smem:$0x3FBB] =	sst s10  }
0x32: {  	s10 =	sld [smem:$0x3FB9];
	_ =	sdelay $0x3  }
0x33: {  	p0 =	seq.s32 s10, $0x1;
	s10 =	sld [smem:$0x3FBB];
	_ =	sdelay $0x3  }
0x34: {  	[smem:$0x3FBB] =	sst s10  }
0x35: {  	s10 =	sld [smem:$0x3FBA];
	_ =	sdelay $0x3  }
0x36: {  	p1 =	seq.s32 s10, $0x1;
	s10 =	sld [smem:$0x3FBB];
	_ =	sdelay $0x3  }
0x37: {  	[smem:$0x3FBB] =	sst s10  }
0x38: {  	s10 =	sld [smem:$0x3FBC]  }
0x39: {  	_ = 	snop;
	(pc) =	sbr.ind lr, $3  }
0x3a: {  	_ = 	snop  }
0x3b: {  	_ = 	snop  }
0x3c: {  	p2 =	seq.s32 s10, $0x1;
	s10 =	sld [smem:$0x3FBB]  }
0x3d: {  	_ =	shalt  }
0x3e: {  	_ =	shalt  }
0x3f: {  	_ =	shalt  }
0x40: {  	_ =	shalt  }
0x41: {  	_ =	shalt  }
0x42: {  	_ =	shalt  }
0x43: {  	_ =	shalt  }
0x44: {  	_ =	shalt  }
0x45: {  	_ =	shalt  }
0x46: {  	_ =	shalt  }
0x47: {  	_ =	shalt  }
0x48: {  	_ =	shalt  }
0x49: {  	_ =	shalt  }
0x4a: {  	_ =	shalt  }
0x4b: {  	_ =	shalt  }
0x4c: {  	_ =	shalt  }
0x4d: {  	_ =	shalt  }
0x4e: {  	_ =	shalt  }
0x4f: {  	_ =	shalt  }
0x50: {  	_ =	shalt  }
0x51: {  	_ =	shalt  }
0x52: {  	_ =	shalt  }
0x53: {  	_ =	shalt  }
0x54: {  	_ =	shalt  }
0x55: {  	_ =	shalt  }
0x56: {  	_ =	shalt  }
0x57: {  	_ =	shalt  }
0x58: {  	_ =	shalt  }
0x59: {  	_ =	shalt  }
0x5a: {  	_ =	shalt  }
0x5b: {  	_ =	shalt  }
0x5c: {  	_ =	shalt  }
0x5d: {  	_ =	shalt  }
0x5e: {  	_ =	shalt  }
0x5f: {  	_ =	shalt  }
0x60: {  	_ =	shalt  }
0x61: {  	_ =	shalt  }
0x62: {  	_ =	shalt  }
0x63: {  	_ =	shalt  }
0x64: {  	_ =	shalt  }
0x65: {  	_ =	shalt  }
0x66: {  	_ =	shalt  }
0x67: {  	_ =	shalt  }
0x68: {  	_ =	shalt  }
0x69: {  	_ =	shalt  }
0x6a: {  	_ =	shalt  }
0x6b: {  	_ =	shalt  }
0x6c: {  	_ =	shalt  }
0x6d: {  	_ =	shalt  }
0x6e: {  	_ =	shalt  }
0x6f: {  	_ =	shalt  }
0x70: {  	_ =	shalt  }
0x71: {  	_ =	shalt  }
0x72: {  	_ =	shalt  }
0x73: {  	_ =	shalt  }
0x74: {  	_ =	shalt  }
0x75: {  	_ =	shalt  }
0x76: {  	_ =	shalt  }
0x77: {  	_ =	shalt  }
0x78: {  	_ =	shalt  }
0x79: {  	_ =	shalt  }
0x7a: {  	_ =	shalt  }
0x7b: {  	_ =	shalt  }
0x7c: {  	_ =	shalt  }
0x7d: {  	_ =	shalt  }
0x7e: {  	_ =	shalt  }
0x7f: {  	_ =	shalt  }
0x80: {  	_ =	shalt  }
0x81: {  	_ =	shalt  }
0x82: {  	_ =	shalt  }
0x83: {  	_ =	shalt  }
0x84: {  	_ =	shalt  }
0x85: {  	_ =	shalt  }
0x86: {  	_ =	shalt  }
0x87: {  	_ =	shalt  }
.Lfunc_end0:
.L_simem_size_0:
called_computation_lowered:
.L_overlay_start_0:
0x88: {  	s2 =	sld [smem:$0x3FD9]  }
0x89: {  	s3 =	sld [smem:$0x3FFE];
	_ =	sdelay $0x1  }
0x8a: {  	s1 =	srdreg.scid  }
0x8b: {  	s0 =	sand.u32 $0x1, s1  }
0x8c: {  	s17 =	sshll.u32 s0, $0xA;
	s2 =	sadd.s32 s3, s2  }
0x8d: {  	s2 =	sadd.s32 s2, s17  }
0x8e: {  	[smem:$0x3FC7] =	sst s2  }
0x8f: {  	_ = 	snop  }
0x90: {  	s2 =	sld [smem:$0x3FD0];
	(tm) =	ssettm $0x1  }
0x91: {  	s18 =	sld [smem:$0x3FFB];
	_ =	sdelay $0x3  }
0x92: {  	_ =	strace s18  }
0x93: {  	s3 =	sld [smem:$0x3FFC];
	_ =	sdelay $0x3  }
0x94: {  	_ =	strace s3  }
0x95: {  	s3 =	sld [smem:$0x3FFD];
	_ =	sdelay $0x3  }
0x96: {  	_ =	strace s3  }
0x97: {  	_ =	strace $0x8FFFFFFF  }
0x98: {  	s19 =	sld [smem:$0x3FDB];
	_ =	sdelay $0x1  }
0x99: {  	s4 =	simm.s32 $_scs_section_size  }
0x9a: {  	s5 =	simm.s32 $_size__tile_overlayer_lowered;
	s6 =	simm.s32 $_tile_overlayer_lowered  }
0x9b: {  	s22 =	simm.s32 $0x1BFF;
	s21 =	sshll.u32 s6, $0x1;
	s3 =	sadd.s32 s4, s19  }
0x9c: {  	s7 =	simm.s32 $0x0;
	s20 =	sshll.u32 s5, $0x1;
	s5 =	sadd.s32 s21, s3  }
0x9d: {  	[timem:s7], [sflag:s22] =	dma.local [hbm:s5], s20  }
0x9e: {  	_ =	swait.ge [sflag:s22], s20  }
0x9f: {  	s4 =	ssub.s32 $0x0, s20;
	[sflag:s22] =	ssyncset.done $0x0  }
0xa0: {  	[sflag:s22] =	ssyncadd.s32 s4;
	_ =	sdelay $0x1  }
0xa1: {  	s23 =	simm.s32 $0x1B8B  }
0xa2: {  	_ =	swait.ge [sflag:s23], $0x1  }
0xa3: {  	[sflag:s23] =	ssyncset.done $0x0  }
0xa4: {  	s25 =	simm.s32 $0x1B8E;
	s24 =	sld [smem:$0x3FFE];
	[sflag:s23] =	ssyncadd.s32 $0xFFFFFFFF  }
0xa5: {  	s26 =	simm.s32 $execute0_lowered;
	[smem:$0x3FD2] =	sst s25  }
0xa6: {  	s5 =	sshll.u32 s26, $0x1;
	_ =	strace $0x80000046;
	[dreg:$0x1] =	wrdreg $0xFFFFFFFF  }
0xa7: {  	s28 =	simm.s32 $_size_execute0_lowered;
	s3 =	sadd.s32 s3, s5;
	[dreg:$0x0] =	wrdreg $0x0  }
0xa8: {  	s5 =	sshll.u32 s28, $0x1;
	[dreg:$0x2] =	wrdreg s3  }
0xa9: {  	[dreg:$0x3] =	wrdreg s5  }
0xaa: {  	[dreg:$0x4] =	wrdreg $0xC0  }
0xab: {  	_ =	task [dreg:s7], $0x5FFFF  }
0xac: {  	[dreg:$0x1] =	wrdreg $0xFFFFFFFF  }
0xad: {  	[dreg:$0x0] =	wrdreg $0x60  }
0xae: {  	[dreg:$0x2] =	wrdreg s24  }
0xaf: {  	[dreg:$0x3] =	wrdreg s2  }
0xb0: {  	[dreg:$0x4] =	wrdreg $0x9  }
0xb1: {  	_ =	task.clear_ibuf [dreg:s7], $0x5FFFF;
	_ =	strace $0x90000046  }
0xb2: {  	s29 =	simm.s32 $0x9;
	_ =	strace $0x80000048  }
0xb3: {  	_ =	swait.ge [sflag:s29], $0x1  }
0xb4: {  	[sflag:s29] =	ssyncadd.s32 $0xFFFFFFFF  }
0xb5: {  	_ =	strace $0x90000048  }
0xb6: {  	_ =	sfence  }
0xb7: {  	s30 =	sld [smem:$0x0];
	_ =	sdelay $0x2  }
0xb8: {  	s31 =	sshll.u32 s1, $0xD;
	s1 =	sshrl.u32 s1, $0x2  }
0xb9: {  	s3 =	sand.u32 $0x4000, s31;
	s1 =	sadd.s32 s1, s30  }
0xba: {  	s0 =	sor.u32 s3, s0;
	s1 =	sshll.u32 s1, $0x11  }
0xbb: {  	s0 =	sor.u32 s1, s0  }
0xbc: {  	s0 =	sadd.s32 $0x8F2B, s0  }
0xbd: {  	[sflag:s0] =	ssyncadd.remote.s32 $0x1  }
0xbe: {  	_ =	sfence.sel $0xFFFF  }
0xbf: {  	[dreg:$0x0] =	wrdreg $0xFFFFFFFF;
	(pc) =	sbr.abs _section_cstart, $3  }
0xc0: {  	[dreg:$0x1] =	wrdreg $0xFFFFFFFF  }
0xc1: {  	_ =	task.clear_ibuf [dreg:s7], $0x2FFFF;
	_ =	strace $0x9FFFFFFF  }
0xc2: {  	(tm) =	ssettm $0x7FFFFFFF  }
0xc3: {  	_ =	shalt  }
tec
execute0_lowered:
.L_overlay_start_1:
0x0: {  	(tag) =	ssettag $0x1  }
0x1: {  	s2 =	stileid.u32;
	s10 =	rddreg [dreg:$0x0]  }
0x2: {  	s0 =	srdreg.scid;
	s19 =	rddreg [dreg:$0x1];
	s31 =	simm.s32 $0xA  }
0x3: {  	s24 =	simm.s32 $0x0;
	s1 =	sshll.u32 s2, $0x1;
	s0 =	sand.u32 $0x1, s0  }
0x4: {  	s14 =	sshrl.u32 s2, $0x2;
	s2 =	simm.s32 $0x0;
	s12 =	sadd.s32 $0x600, s10  }
0x5: {  	s15 =	sadd.s32 $0x610, s10;
	s16 =	sadd.s32 $0x620, s10;
	s17 =	sadd.s32 $0x630, s10  }
0x6: {  	s18 =	sadd.s32 $0x640, s10;
	s20 =	sadd.s32 $0x650, s10;
	s1 =	sand.u32 $0x6, s1  }
0x7: {  	s21 =	sadd.s32 $0x660, s10;
	s3 =	smul.u32 $0x24C0000, s14;
	s1 =	sor.u32 s0, s1  }
0x8: {  	s22 =	sadd.s32 $0x670, s10;
	s0 =	ssub.s32 $0x2, s0;
	s4 =	smul.u32 $0xC400, s1  }
0x9: {  	[smem:$0x7FF] =	sst s2;
	s29 =	sshrl.u32 s0, $0x1;
	s1 =	smul.u32 $0x6200, s1  }
0xa: {  	s30 =	sshll.u32 s14, $0x7;
	_ =	strace $0x80000047;
	s0 =	ssub.s32 s0, s29  }
0xb: {  	s3 =	sadd.s32 s3, s4;
	s1 =	sor.u32 s30, s1;
	s0 =	smax.u32 s0, $0x1  }
0xc: {  	s11 =	sshrl.u32 s3, $0x3;
	[dreg:$0x4] =	wrdreg s0;
	s0 =	simm.s32 $0xC  }
0xd: {  	s1 =	sshrl.u32 s1, $0x3;
	s13 =	sadd.s32 $0x47F800, s11;
	s23 =	sadd.s32 $0x48BC00, s11  }
0xe: {  	s1 =	sadd.s32 s19, s1;
	s19 =	simm.s32 $0xD;
	s3 =	sadd.s32 s12, s13  }
0xf: {  	s4 =	sadd.s32 s13, s15;
	s5 =	sadd.s32 s13, s16;
	s6 =	sadd.s32 s13, s17  }
0x10: {  	s7 =	sadd.s32 s13, s18;
	s8 =	sadd.s32 s13, s20;
	s9 =	sadd.s32 s13, s21  }
0x11: {  	s10 =	sadd.s32 s13, s22;
	s11 =	sadd.s32 s12, s23;
	s12 =	sadd.s32 s23, s15  }
0x12: {  	s13 =	sadd.s32 s23, s16;
	s14 =	sadd.s32 s23, s17;
	s15 =	sadd.s32 s23, s18  }
0x13: {  	s16 =	sadd.s32 s23, s20;
	s17 =	sadd.s32 s23, s21;
	s18 =	sadd.s32 s23, s22  }
0x14: {  	[dreg:$0x3] =	wrdreg s1;
	s1 =	simm.s32 $0xB;
	s20 =	simm.s32 $0xE  }
0x15: {  	v0 =	vimm.f32 $0.0e+00;
	s21 =	simm.s32 $0xF;
	s22 =	simm.s32 $0x10;
	s23 =	simm.s32 $0x11  }
.LBB2_1:
0x16: {  	s25 =	simm.s32 $0x80  }
0x17: {  	s29 =	sadd.s32 $0x0, s3;
	s26 =	simm.s32 $0x400;
	s28 =	simm.s32 $0x0  }
.LBB2_2:
0x18: {  	[tilespmem:s28], [sflag:$0x1] =	stream.linear.gather [hbm4b:s29+s2], $0x80, $0x38;
	[tilespmem:$0x1A080] =	vst v63  }
0x19: {  	s29 =	smov.u32 s25;
	s28 =	smov.u32 s26;
	p0 =	sne.s32 s25, $0x1800  }
.Ltmp0:
0x1a: {  	s25 =	sadd.s32 $0x80, s25;
	(pc) =	sbr.rel @p0 .LBB2_2-.Ltmp0, $2  }
0x1b: {  	_ =	sdelay $0x2  }
0x1c: {  	s26 =	sadd.s32 $0x400, s26;
	s29 =	sadd.s32 s29, s3  }
0x1d: {  	[tilespmem:s28], [sflag:$0x1] =	stream.linear.gather [hbm4b:s29+s2], $0x80, $0x38;
	[tilespmem:$0x1A080] =	vst v63  }
0x1e: {  	s25 =	simm.s32 $0x80  }
0x1f: {  	s26 =	simm.s32 $0x80;
	s29 =	sadd.s32 $0x0, s4;
	s28 =	simm.s32 $0x480  }
.LBB2_4:
0x20: {  	[tilespmem:s25], [sflag:$0x2] =	stream.linear.gather [hbm4b:s29+s2], $0x80, $0x38;
	[tilespmem:$0x1A080] =	vst v63  }
0x21: {  	s29 =	smov.u32 s26;
	s25 =	smov.u32 s28;
	p0 =	sne.s32 s26, $0x1800  }
.Ltmp1:
0x22: {  	s26 =	sadd.s32 $0x80, s26;
	(pc) =	sbr.rel @p0 .LBB2_4-.Ltmp1, $2  }
0x23: {  	_ =	sdelay $0x2  }
0x24: {  	s28 =	sadd.s32 $0x400, s28;
	s29 =	sadd.s32 s29, s4  }
0x25: {  	[tilespmem:s25], [sflag:$0x2] =	stream.linear.gather [hbm4b:s29+s2], $0x80, $0x38;
	[tilespmem:$0x1A080] =	vst v63  }
0x26: {  	s25 =	simm.s32 $0x100  }
0x27: {  	s26 =	simm.s32 $0x80;
	s29 =	sadd.s32 $0x0, s5;
	s28 =	simm.s32 $0x500  }
.LBB2_6:
0x28: {  	[tilespmem:s25], [sflag:$0x3] =	stream.linear.gather [hbm4b:s29+s2], $0x80, $0x38;
	[tilespmem:$0x1A080] =	vst v63  }
0x29: {  	s29 =	smov.u32 s26;
	s25 =	smov.u32 s28;
	p0 =	sne.s32 s26, $0x1800  }
.Ltmp2:
0x2a: {  	s26 =	sadd.s32 $0x80, s26;
	(pc) =	sbr.rel @p0 .LBB2_6-.Ltmp2, $2  }
0x2b: {  	_ =	sdelay $0x2  }
0x2c: {  	s28 =	sadd.s32 $0x400, s28;
	s29 =	sadd.s32 s29, s5  }
0x2d: {  	[tilespmem:s25], [sflag:$0x3] =	stream.linear.gather [hbm4b:s29+s2], $0x80, $0x38;
	[tilespmem:$0x1A080] =	vst v63  }
0x2e: {  	s25 =	simm.s32 $0x180  }
0x2f: {  	s26 =	simm.s32 $0x80;
	s29 =	sadd.s32 $0x0, s6;
	s28 =	simm.s32 $0x580  }
.LBB2_8:
0x30: {  	[tilespmem:s25], [sflag:$0x4] =	stream.linear.gather [hbm4b:s29+s2], $0x80, $0x38;
	[tilespmem:$0x1A080] =	vst v63  }
0x31: {  	s29 =	smov.u32 s26;
	s25 =	smov.u32 s28;
	p0 =	sne.s32 s26, $0x1800  }
.Ltmp3:
0x32: {  	s26 =	sadd.s32 $0x80, s26;
	(pc) =	sbr.rel @p0 .LBB2_8-.Ltmp3, $2  }
0x33: {  	_ =	sdelay $0x2  }
0x34: {  	s28 =	sadd.s32 $0x400, s28;
	s29 =	sadd.s32 s29, s6  }
0x35: {  	[tilespmem:s25], [sflag:$0x4] =	stream.linear.gather [hbm4b:s29+s2], $0x80, $0x38;
	[tilespmem:$0x1A080] =	vst v63  }
0x36: {  	s25 =	simm.s32 $0x200  }
0x37: {  	s26 =	simm.s32 $0x80;
	s29 =	sadd.s32 $0x0, s7;
	s28 =	simm.s32 $0x600  }
.LBB2_10:
0x38: {  	[tilespmem:s25], [sflag:$0x5] =	stream.linear.gather [hbm4b:s29+s2], $0x80, $0x38;
	[tilespmem:$0x1A080] =	vst v63  }
0x39: {  	s29 =	smov.u32 s26;
	s25 =	smov.u32 s28;
	p0 =	sne.s32 s26, $0x1800  }
.Ltmp4:
0x3a: {  	s26 =	sadd.s32 $0x80, s26;
	(pc) =	sbr.rel @p0 .LBB2_10-.Ltmp4, $2  }
0x3b: {  	_ =	sdelay $0x2  }
0x3c: {  	s28 =	sadd.s32 $0x400, s28;
	s29 =	sadd.s32 s29, s7  }
0x3d: {  	[tilespmem:s25], [sflag:$0x5] =	stream.linear.gather [hbm4b:s29+s2], $0x80, $0x38;
	[tilespmem:$0x1A080] =	vst v63  }
0x3e: {  	s25 =	simm.s32 $0x280  }
0x3f: {  	s26 =	simm.s32 $0x80;
	s29 =	sadd.s32 $0x0, s8;
	s28 =	simm.s32 $0x680  }
.LBB2_12:
0x40: {  	[tilespmem:s25], [sflag:$0x6] =	stream.linear.gather [hbm4b:s29+s2], $0x80, $0x38;
	[tilespmem:$0x1A080] =	vst v63  }
0x41: {  	s29 =	smov.u32 s26;
	s25 =	smov.u32 s28;
	p0 =	sne.s32 s26, $0x1800  }
.Ltmp5:
0x42: {  	s26 =	sadd.s32 $0x80, s26;
	(pc) =	sbr.rel @p0 .LBB2_12-.Ltmp5, $2  }
0x43: {  	_ =	sdelay $0x2  }
0x44: {  	s28 =	sadd.s32 $0x400, s28;
	s29 =	sadd.s32 s29, s8  }
0x45: {  	[tilespmem:s25], [sflag:$0x6] =	stream.linear.gather [hbm4b:s29+s2], $0x80, $0x38;
	[tilespmem:$0x1A080] =	vst v63  }
0x46: {  	s25 =	simm.s32 $0x300  }
0x47: {  	s26 =	simm.s32 $0x80;
	s29 =	sadd.s32 $0x0, s9;
	s28 =	simm.s32 $0x700  }
.LBB2_14:
0x48: {  	[tilespmem:s25], [sflag:$0x7] =	stream.linear.gather [hbm4b:s29+s2], $0x80, $0x38;
	[tilespmem:$0x1A080] =	vst v63  }
0x49: {  	s29 =	smov.u32 s26;
	s25 =	smov.u32 s28;
	p0 =	sne.s32 s26, $0x1800  }
.Ltmp6:
0x4a: {  	s26 =	sadd.s32 $0x80, s26;
	(pc) =	sbr.rel @p0 .LBB2_14-.Ltmp6, $2  }
0x4b: {  	_ =	sdelay $0x2  }
0x4c: {  	s28 =	sadd.s32 $0x400, s28;
	s29 =	sadd.s32 s29, s9  }
0x4d: {  	[tilespmem:s25], [sflag:$0x7] =	stream.linear.gather [hbm4b:s29+s2], $0x80, $0x38;
	[tilespmem:$0x1A080] =	vst v63  }
0x4e: {  	s25 =	simm.s32 $0x380  }
0x4f: {  	s26 =	simm.s32 $0x80;
	s29 =	sadd.s32 $0x0, s10;
	s28 =	simm.s32 $0x780  }
.LBB2_16:
0x50: {  	[tilespmem:s25], [sflag:$0x8] =	stream.linear.gather [hbm4b:s29+s2], $0x80, $0x38;
	[tilespmem:$0x1A080] =	vst v63  }
0x51: {  	s29 =	smov.u32 s26;
	s25 =	smov.u32 s28;
	p0 =	sne.s32 s26, $0x1800  }
.Ltmp7:
0x52: {  	s26 =	sadd.s32 $0x80, s26;
	(pc) =	sbr.rel @p0 .LBB2_16-.Ltmp7, $2  }
0x53: {  	_ =	sdelay $0x2  }
0x54: {  	s28 =	sadd.s32 $0x400, s28;
	s29 =	sadd.s32 s29, s10  }
0x55: {  	[tilespmem:s25], [sflag:$0x8] =	stream.linear.gather [hbm4b:s29+s2], $0x80, $0x38;
	[tilespmem:$0x1A080] =	vst v63  }
0x56: {  	s25 =	simm.s32 $0xC400  }
0x57: {  	s26 =	simm.s32 $0x80;
	s29 =	sadd.s32 $0x0, s11;
	s28 =	simm.s32 $0xC800  }
.LBB2_18:
0x58: {  	[tilespmem:s25], [sflag:$0x9] =	stream.linear.gather [hbm4b:s29+s2], $0x80, $0x38;
	[tilespmem:$0x1A080] =	vst v63  }
0x59: {  	s29 =	smov.u32 s26;
	s25 =	smov.u32 s28;
	p0 =	sne.s32 s26, $0x1800  }
.Ltmp8:
0x5a: {  	s26 =	sadd.s32 $0x80, s26;
	(pc) =	sbr.rel @p0 .LBB2_18-.Ltmp8, $2  }
0x5b: {  	_ =	sdelay $0x2  }
0x5c: {  	s28 =	sadd.s32 $0x400, s28;
	s29 =	sadd.s32 s29, s11  }
0x5d: {  	[tilespmem:s25], [sflag:$0x9] =	stream.linear.gather [hbm4b:s29+s2], $0x80, $0x38;
	[tilespmem:$0x1A080] =	vst v63  }
0x5e: {  	s25 =	simm.s32 $0xC480  }
0x5f: {  	s26 =	simm.s32 $0x80;
	s29 =	sadd.s32 $0x0, s12;
	s28 =	simm.s32 $0xC880  }
.LBB2_20:
0x60: {  	[tilespmem:s25], [sflag:$0xA] =	stream.linear.gather [hbm4b:s29+s2], $0x80, $0x38;
	[tilespmem:$0x1A080] =	vst v63  }
0x61: {  	s29 =	smov.u32 s26;
	s25 =	smov.u32 s28;
	p0 =	sne.s32 s26, $0x1800  }
.Ltmp9:
0x62: {  	s26 =	sadd.s32 $0x80, s26;
	(pc) =	sbr.rel @p0 .LBB2_20-.Ltmp9, $2  }
0x63: {  	_ =	sdelay $0x2  }
0x64: {  	s28 =	sadd.s32 $0x400, s28;
	s29 =	sadd.s32 s29, s12  }
0x65: {  	[tilespmem:s25], [sflag:$0xA] =	stream.linear.gather [hbm4b:s29+s2], $0x80, $0x38;
	[tilespmem:$0x1A080] =	vst v63  }
0x66: {  	s25 =	simm.s32 $0xC500  }
0x67: {  	s26 =	simm.s32 $0x80;
	s29 =	sadd.s32 $0x0, s13;
	s28 =	simm.s32 $0xC900  }
.LBB2_22:
0x68: {  	[tilespmem:s25], [sflag:$0xB] =	stream.linear.gather [hbm4b:s29+s2], $0x80, $0x38;
	[tilespmem:$0x1A080] =	vst v63  }
0x69: {  	s29 =	smov.u32 s26;
	s25 =	smov.u32 s28;
	p0 =	sne.s32 s26, $0x1800  }
.Ltmp10:
0x6a: {  	s26 =	sadd.s32 $0x80, s26;
	(pc) =	sbr.rel @p0 .LBB2_22-.Ltmp10, $2  }
0x6b: {  	_ =	sdelay $0x2  }
0x6c: {  	s28 =	sadd.s32 $0x400, s28;
	s29 =	sadd.s32 s29, s13  }
0x6d: {  	[tilespmem:s25], [sflag:$0xB] =	stream.linear.gather [hbm4b:s29+s2], $0x80, $0x38;
	[tilespmem:$0x1A080] =	vst v63  }
0x6e: {  	s25 =	simm.s32 $0xC580  }
0x6f: {  	s26 =	simm.s32 $0x80;
	s29 =	sadd.s32 $0x0, s14;
	s28 =	simm.s32 $0xC980  }
.LBB2_24:
0x70: {  	[tilespmem:s25], [sflag:$0xC] =	stream.linear.gather [hbm4b:s29+s2], $0x80, $0x38;
	[tilespmem:$0x1A080] =	vst v63  }
0x71: {  	s29 =	smov.u32 s26;
	s25 =	smov.u32 s28;
	p0 =	sne.s32 s26, $0x1800  }
.Ltmp11:
0x72: {  	s26 =	sadd.s32 $0x80, s26;
	(pc) =	sbr.rel @p0 .LBB2_24-.Ltmp11, $2  }
0x73: {  	_ =	sdelay $0x2  }
0x74: {  	s28 =	sadd.s32 $0x400, s28;
	s29 =	sadd.s32 s29, s14  }
0x75: {  	[tilespmem:s25], [sflag:$0xC] =	stream.linear.gather [hbm4b:s29+s2], $0x80, $0x38;
	[tilespmem:$0x1A080] =	vst v63  }
0x76: {  	s25 =	simm.s32 $0xC600  }
0x77: {  	s26 =	simm.s32 $0x80;
	s29 =	sadd.s32 $0x0, s15;
	s28 =	simm.s32 $0xCA00  }
.LBB2_26:
0x78: {  	[tilespmem:s25], [sflag:$0xD] =	stream.linear.gather [hbm4b:s29+s2], $0x80, $0x38;
	[tilespmem:$0x1A080] =	vst v63  }
0x79: {  	s29 =	smov.u32 s26;
	s25 =	smov.u32 s28;
	p0 =	sne.s32 s26, $0x1800  }
.Ltmp12:
0x7a: {  	s26 =	sadd.s32 $0x80, s26;
	(pc) =	sbr.rel @p0 .LBB2_26-.Ltmp12, $2  }
0x7b: {  	_ =	sdelay $0x2  }
0x7c: {  	s28 =	sadd.s32 $0x400, s28;
	s29 =	sadd.s32 s29, s15  }
0x7d: {  	[tilespmem:s25], [sflag:$0xD] =	stream.linear.gather [hbm4b:s29+s2], $0x80, $0x38;
	[tilespmem:$0x1A080] =	vst v63  }
0x7e: {  	s25 =	simm.s32 $0xC680  }
0x7f: {  	s26 =	simm.s32 $0x80;
	s29 =	sadd.s32 $0x0, s16;
	s28 =	simm.s32 $0xCA80  }
.LBB2_28:
0x80: {  	[tilespmem:s25], [sflag:$0xE] =	stream.linear.gather [hbm4b:s29+s2], $0x80, $0x38;
	[tilespmem:$0x1A080] =	vst v63  }
0x81: {  	s29 =	smov.u32 s26;
	s25 =	smov.u32 s28;
	p0 =	sne.s32 s26, $0x1800  }
.Ltmp13:
0x82: {  	s26 =	sadd.s32 $0x80, s26;
	(pc) =	sbr.rel @p0 .LBB2_28-.Ltmp13, $2  }
0x83: {  	_ =	sdelay $0x2  }
0x84: {  	s28 =	sadd.s32 $0x400, s28;
	s29 =	sadd.s32 s29, s16  }
0x85: {  	[tilespmem:s25], [sflag:$0xE] =	stream.linear.gather [hbm4b:s29+s2], $0x80, $0x38;
	[tilespmem:$0x1A080] =	vst v63  }
0x86: {  	s25 =	simm.s32 $0xC700  }
0x87: {  	s26 =	simm.s32 $0x80;
	s29 =	sadd.s32 $0x0, s17;
	s28 =	simm.s32 $0xCB00  }
.LBB2_30:
0x88: {  	[tilespmem:s25], [sflag:$0xF] =	stream.linear.gather [hbm4b:s29+s2], $0x80, $0x38;
	[tilespmem:$0x1A080] =	vst v63  }
0x89: {  	s29 =	smov.u32 s26;
	s25 =	smov.u32 s28;
	p0 =	sne.s32 s26, $0x1800  }
.Ltmp14:
0x8a: {  	s26 =	sadd.s32 $0x80, s26;
	(pc) =	sbr.rel @p0 .LBB2_30-.Ltmp14, $2  }
0x8b: {  	_ =	sdelay $0x2  }
0x8c: {  	s28 =	sadd.s32 $0x400, s28;
	s29 =	sadd.s32 s29, s17  }
0x8d: {  	[tilespmem:s25], [sflag:$0xF] =	stream.linear.gather [hbm4b:s29+s2], $0x80, $0x38;
	[tilespmem:$0x1A080] =	vst v63  }
0x8e: {  	s25 =	simm.s32 $0x0;
	s26 =	simm.s32 $0xC780  }
0x8f: {  	s28 =	simm.s32 $0x80;
	s30 =	sadd.s32 $0x0, s18;
	s29 =	simm.s32 $0xCB80  }
.LBB2_32:
0x90: {  	[tilespmem:s26], [sflag:$0x10] =	stream.linear.gather [hbm4b:s30+s25], $0x80, $0x38;
	[tilespmem:$0x1A080] =	vst v63  }
0x91: {  	s30 =	smov.u32 s28;
	s26 =	smov.u32 s29;
	p0 =	sne.s32 s28, $0x1800  }
.Ltmp15:
0x92: {  	s28 =	sadd.s32 $0x80, s28;
	(pc) =	sbr.rel @p0 .LBB2_32-.Ltmp15, $2  }
0x93: {  	_ =	sdelay $0x2  }
0x94: {  	s29 =	sadd.s32 $0x400, s29;
	s30 =	sadd.s32 s30, s18  }
0x95: {  	[tilespmem:s26], [sflag:$0x10] =	stream.linear.gather [hbm4b:s30+s25], $0x80, $0x38;
	[tilespmem:$0x1A080] =	vst v63  }
0x96: {  	s25 =	simm.s32 $0x40;
	s26 =	simm.s32 $0x0  }
.LBB2_34:
0x97: {  	p0 =	sne.s32 s25, $0x61C0;
	[tilespmem:s26+$0x18800] =	vst v0;
	s26 =	smov.u32 s25;
	s25 =	sadd.s32 $0x40, s25  }
.Ltmp16:
0x98: {  	(pc) =	sbr.rel @p0 .LBB2_34-.Ltmp16, $2  }
0x99: {  	_ =	sdelay $0x2  }
0x9a: {  	s26 =	sshra.s32 s26, $0x2  }
0x9b: {  	[tilespmem:s26+$0x18800] =	vst v0;
	s25 =	simm.s32 $0x1  }
0x9c: {  	_ =	swait.ge [sflag:s25], $0x1880  }
0x9d: {  	[sflag:s25] =	ssyncset.done $0x0  }
0x9e: {  	s26 =	simm.s32 $0x2;
	[sflag:s25] =	ssyncadd.s32 $0xFFFFE780  }
0x9f: {  	_ =	swait.ge [sflag:s26], $0x1880  }
0xa0: {  	[sflag:s26] =	ssyncset.done $0x0  }
0xa1: {  	s30 =	simm.s32 $0x3;
	[sflag:s26] =	ssyncadd.s32 $0xFFFFE780  }
0xa2: {  	_ =	swait.ge [sflag:s30], $0x1880  }
0xa3: {  	[sflag:s30] =	ssyncset.done $0x0  }
0xa4: {  	s26 =	simm.s32 $0x4;
	[sflag:s30] =	ssyncadd.s32 $0xFFFFE780  }
0xa5: {  	_ =	swait.ge [sflag:s26], $0x1880  }
0xa6: {  	[sflag:s26] =	ssyncset.done $0x0  }
0xa7: {  	s30 =	simm.s32 $0x5;
	[sflag:s26] =	ssyncadd.s32 $0xFFFFE780  }
0xa8: {  	_ =	swait.ge [sflag:s30], $0x1880  }
0xa9: {  	[sflag:s30] =	ssyncset.done $0x0  }
0xaa: {  	s26 =	simm.s32 $0x6;
	[sflag:s30] =	ssyncadd.s32 $0xFFFFE780  }
0xab: {  	_ =	swait.ge [sflag:s26], $0x1880  }
0xac: {  	[sflag:s26] =	ssyncset.done $0x0  }
0xad: {  	s30 =	simm.s32 $0x7;
	[sflag:s26] =	ssyncadd.s32 $0xFFFFE780  }
0xae: {  	_ =	swait.ge [sflag:s30], $0x1880  }
0xaf: {  	[sflag:s30] =	ssyncset.done $0x0  }
0xb0: {  	s28 =	simm.s32 $0x8;
	[sflag:s30] =	ssyncadd.s32 $0xFFFFE780  }
0xb1: {  	s26 =	simm.s32 $0x0;
	_ =	swait.ge [sflag:s28], $0x1880  }
0xb2: {  	s25 =	sand.u32 $0xFC00, s26;
	s30 =	sand.u32 $0x70, s26;
	[sflag:s28] =	ssyncset.done $0x0  }
0xb3: {  	s26 =	sor.u32 s30, s25;
	[sflag:s28] =	ssyncadd.s32 $0xFFFFE780  }
0xb4: {  	s25 =	simm.s32 $0x18800;
	v1 =	vld [tilespmem:s26+$0x0]  }
0xb5: {  	v2 =	vld [tilespmem:s25+$0x0];
	_ =	sdelay $0x1  }
0xb6: {  	v3 =	vld [tilespmem:s26+$0x80];
	_ =	sdelay $0x1  }
0xb7: {  	v4 =	vld [tilespmem:s26+$0x100]  }
0xb8: {  	v1 =	vadd.f32 v1, v2  }
0xb9: {  	v2 =	vld [tilespmem:s26+$0x180]  }
0xba: {  	v1 =	vadd.f32 v3, v1  }
0xbb: {  	v3 =	vld [tilespmem:s26+$0x200]  }
0xbc: {  	v1 =	vadd.f32 v4, v1  }
0xbd: {  	v63 =	vld [tilespmem:s26+$0x280]  }
0xbe: {  	v1 =	vadd.f32 v2, v1  }
0xbf: {  	v2 =	vld [tilespmem:s26+$0x300]  }
0xc0: {  	v1 =	vadd.f32 v3, v1  }
0xc1: {  	v3 =	vld [tilespmem:s26+$0x380]  }
0xc2: {  	v1 =	vadd.f32 v63, v1;
	_ =	sdelay $0x1  }
0xc3: {  	v1 =	vadd.f32 v2, v1;
	_ =	sdelay $0x1  }
0xc4: {  	s28 =	simm.s32 $0x10;
	s26 =	simm.s32 $0x80;
	v1 =	vadd.f32 v3, v1  }
0xc5: {  	s28 =	sand.u32 $0x70, s28;
	s29 =	sand.u32 $0xFC00, s26  }
0xc6: {  	s28 =	sor.u32 s28, s29;
	s29 =	simm.s32 $0x20;
	[tilespmem:s25+$0x0] =	vst v1  }
.LBB2_36:
0xc7: {  	p0 =	sne.s32 s29, $0x1870;
	v1 =	vld [tilespmem:s28+$0x0];
	s25 =	sadd.s32 $0x10, s25  }
0xc8: {  	v2 =	vld [tilespmem:s25+$0x0];
	_ =	sdelay $0x1  }
0xc9: {  	v3 =	vld [tilespmem:s28+$0x80];
	_ =	sdelay $0x1  }
0xca: {  	v4 =	vld [tilespmem:s28+$0x100]  }
0xcb: {  	v1 =	vadd.f32 v1, v2  }
0xcc: {  	v2 =	vld [tilespmem:s28+$0x180]  }
0xcd: {  	v1 =	vadd.f32 v3, v1  }
0xce: {  	v3 =	vld [tilespmem:s28+$0x200]  }
0xcf: {  	v1 =	vadd.f32 v4, v1  }
0xd0: {  	v4 =	vld [tilespmem:s28+$0x280]  }
0xd1: {  	v1 =	vadd.f32 v2, v1  }
0xd2: {  	v2 =	vld [tilespmem:s28+$0x300]  }
0xd3: {  	v1 =	vadd.f32 v3, v1  }
0xd4: {  	v3 =	vld [tilespmem:s28+$0x380]  }
0xd5: {  	v1 =	vadd.f32 v4, v1;
	_ =	sdelay $0x1  }
.Ltmp17:
0xd6: {  	v1 =	vadd.f32 v2, v1;
	(pc) =	sbr.rel @p0 .LBB2_36-.Ltmp17, $4  }
0xd7: {  	_ = 	snop  }
0xd8: {  	s26 =	sadd.s32 $0x80, s26;
	v1 =	vadd.f32 v3, v1  }
0xd9: {  	s30 =	sand.u32 $0xFC00, s26;
	s28 =	sand.u32 $0x70, s29  }
0xda: {  	s29 =	sadd.s32 $0x10, s29;
	s28 =	sor.u32 s28, s30;
	[tilespmem:s25+$0x0] =	vst v1  }
0xdb: {  	v1 =	vld [tilespmem:s28+$0x0];
	s25 =	sadd.s32 $0x10, s25  }
0xdc: {  	v2 =	vld [tilespmem:s25+$0x0];
	_ =	sdelay $0x1  }
0xdd: {  	v3 =	vld [tilespmem:s28+$0x80];
	_ =	sdelay $0x1  }
0xde: {  	v4 =	vld [tilespmem:s28+$0x100]  }
0xdf: {  	v1 =	vadd.f32 v1, v2  }
0xe0: {  	v2 =	vld [tilespmem:s28+$0x180]  }
0xe1: {  	v1 =	vadd.f32 v3, v1  }
0xe2: {  	v3 =	vld [tilespmem:s28+$0x200]  }
0xe3: {  	v1 =	vadd.f32 v4, v1  }
0xe4: {  	v61 =	vld [tilespmem:s28+$0x280]  }
0xe5: {  	v1 =	vadd.f32 v2, v1  }
0xe6: {  	v2 =	vld [tilespmem:s28+$0x300]  }
0xe7: {  	v1 =	vadd.f32 v3, v1  }
0xe8: {  	v3 =	vld [tilespmem:s28+$0x380]  }
0xe9: {  	v1 =	vadd.f32 v61, v1;
	_ =	sdelay $0x1  }
0xea: {  	v1 =	vadd.f32 v2, v1;
	_ =	sdelay $0x1  }
0xeb: {  	v1 =	vadd.f32 v3, v1;
	_ =	sdelay $0x1  }
0xec: {  	s26 =	simm.s32 $0x9;
	[tilespmem:s25+$0x0] =	vst v1  }
0xed: {  	_ =	swait.ge [sflag:s26], $0x1880  }
0xee: {  	[sflag:s26] =	ssyncset.done $0x0  }
0xef: {  	[sflag:s26] =	ssyncadd.s32 $0xFFFFE780  }
0xf0: {  	_ =	swait.ge [sflag:s31], $0x1880  }
0xf1: {  	[sflag:s31] =	ssyncset.done $0x0  }
0xf2: {  	[sflag:s31] =	ssyncadd.s32 $0xFFFFE780  }
0xf3: {  	_ =	swait.ge [sflag:s1], $0x1880  }
0xf4: {  	[sflag:s1] =	ssyncset.done $0x0  }
0xf5: {  	[sflag:s1] =	ssyncadd.s32 $0xFFFFE780  }
0xf6: {  	_ =	swait.ge [sflag:s0], $0x1880  }
0xf7: {  	[sflag:s0] =	ssyncset.done $0x0  }
0xf8: {  	[sflag:s0] =	ssyncadd.s32 $0xFFFFE780  }
0xf9: {  	_ =	swait.ge [sflag:s19], $0x1880  }
0xfa: {  	[sflag:s19] =	ssyncset.done $0x0  }
0xfb: {  	[sflag:s19] =	ssyncadd.s32 $0xFFFFE780  }
0xfc: {  	_ =	swait.ge [sflag:s20], $0x1880  }
0xfd: {  	[sflag:s20] =	ssyncset.done $0x0  }
0xfe: {  	[sflag:s20] =	ssyncadd.s32 $0xFFFFE780  }
0xff: {  	_ =	swait.ge [sflag:s21], $0x1880  }
0x100: {  	[sflag:s21] =	ssyncset.done $0x0  }
0x101: {  	[sflag:s21] =	ssyncadd.s32 $0xFFFFE780  }
0x102: {  	s30 =	simm.s32 $0x0;
	_ =	swait.ge [sflag:s22], $0x1880  }
0x103: {  	s25 =	sand.u32 $0xFC00, s30;
	s26 =	sand.u32 $0x70, s30;
	[sflag:s22] =	ssyncset.done $0x0  }
0x104: {  	s26 =	sor.u32 s26, s25;
	[sflag:s22] =	ssyncadd.s32 $0xFFFFE780  }
0x105: {  	s25 =	simm.s32 $0x18800;
	v1 =	vld [tilespmem:s26+$0xC400]  }
0x106: {  	v2 =	vld [tilespmem:s25+$0x0];
	_ =	sdelay $0x1  }
0x107: {  	v3 =	vld [tilespmem:s26+$0xC480];
	_ =	sdelay $0x1  }
0x108: {  	v62 =	vld [tilespmem:s26+$0xC500]  }
0x109: {  	v1 =	vadd.f32 v1, v2  }
0x10a: {  	v2 =	vld [tilespmem:s26+$0xC580]  }
0x10b: {  	v1 =	vadd.f32 v3, v1  }
0x10c: {  	v3 =	vld [tilespmem:s26+$0xC600]  }
0x10d: {  	v1 =	vadd.f32 v62, v1  }
0x10e: {  	v63 =	vld [tilespmem:s26+$0xC680]  }
0x10f: {  	v1 =	vadd.f32 v2, v1  }
0x110: {  	v2 =	vld [tilespmem:s26+$0xC700]  }
0x111: {  	v1 =	vadd.f32 v3, v1  }
0x112: {  	v3 =	vld [tilespmem:s26+$0xC780]  }
0x113: {  	v1 =	vadd.f32 v63, v1;
	_ =	sdelay $0x1  }
0x114: {  	v1 =	vadd.f32 v2, v1;
	_ =	sdelay $0x1  }
0x115: {  	s28 =	simm.s32 $0x10;
	s26 =	simm.s32 $0x80;
	v1 =	vadd.f32 v3, v1  }
0x116: {  	s28 =	sand.u32 $0x70, s28;
	s29 =	sand.u32 $0xFC00, s26  }
0x117: {  	s28 =	sor.u32 s28, s29;
	s29 =	simm.s32 $0x20;
	[tilespmem:s25+$0x0] =	vst v1  }
.LBB2_38:
0x118: {  	p0 =	sne.s32 s29, $0x1870;
	v1 =	vld [tilespmem:s28+$0xC400];
	s25 =	sadd.s32 $0x10, s25  }
0x119: {  	v2 =	vld [tilespmem:s25+$0x0];
	_ =	sdelay $0x1  }
0x11a: {  	v3 =	vld [tilespmem:s28+$0xC480];
	_ =	sdelay $0x1  }
0x11b: {  	v4 =	vld [tilespmem:s28+$0xC500]  }
0x11c: {  	v1 =	vadd.f32 v1, v2  }
0x11d: {  	v2 =	vld [tilespmem:s28+$0xC580]  }
0x11e: {  	v1 =	vadd.f32 v3, v1  }
0x11f: {  	v3 =	vld [tilespmem:s28+$0xC600]  }
0x120: {  	v1 =	vadd.f32 v4, v1  }
0x121: {  	v4 =	vld [tilespmem:s28+$0xC680]  }
0x122: {  	v1 =	vadd.f32 v2, v1  }
0x123: {  	v2 =	vld [tilespmem:s28+$0xC700]  }
0x124: {  	v1 =	vadd.f32 v3, v1  }
0x125: {  	v3 =	vld [tilespmem:s28+$0xC780]  }
0x126: {  	v1 =	vadd.f32 v4, v1;
	_ =	sdelay $0x1  }
.Ltmp18:
0x127: {  	v1 =	vadd.f32 v2, v1;
	(pc) =	sbr.rel @p0 .LBB2_38-.Ltmp18, $4  }
0x128: {  	_ = 	snop  }
0x129: {  	s26 =	sadd.s32 $0x80, s26;
	v1 =	vadd.f32 v3, v1  }
0x12a: {  	s30 =	sand.u32 $0xFC00, s26;
	s28 =	sand.u32 $0x70, s29  }
0x12b: {  	s29 =	sadd.s32 $0x10, s29;
	s28 =	sor.u32 s28, s30;
	[tilespmem:s25+$0x0] =	vst v1  }
0x12c: {  	v1 =	vld [tilespmem:s28+$0xC400];
	s25 =	sadd.s32 $0x10, s25  }
0x12d: {  	v2 =	vld [tilespmem:s25+$0x0];
	_ =	sdelay $0x1  }
0x12e: {  	v3 =	vld [tilespmem:s28+$0xC480];
	_ =	sdelay $0x1  }
0x12f: {  	v4 =	vld [tilespmem:s28+$0xC500]  }
0x130: {  	v1 =	vadd.f32 v1, v2  }
0x131: {  	v2 =	vld [tilespmem:s28+$0xC580]  }
0x132: {  	v1 =	vadd.f32 v3, v1  }
0x133: {  	v3 =	vld [tilespmem:s28+$0xC600]  }
0x134: {  	v1 =	vadd.f32 v4, v1  }
0x135: {  	v63 =	vld [tilespmem:s28+$0xC680]  }
0x136: {  	v1 =	vadd.f32 v2, v1  }
0x137: {  	v2 =	vld [tilespmem:s28+$0xC700]  }
0x138: {  	v1 =	vadd.f32 v3, v1  }
0x139: {  	v3 =	vld [tilespmem:s28+$0xC780]  }
0x13a: {  	v1 =	vadd.f32 v63, v1;
	_ =	sdelay $0x1  }
0x13b: {  	v1 =	vadd.f32 v2, v1;
	_ =	sdelay $0x1  }
0x13c: {  	v1 =	vadd.f32 v3, v1  }
0x13d: {  	s26 =	simm.s32 $0x80  }
0x13e: {  	s30 =	simm.s32 $0x200;
	s29 =	simm.s32 $0x18800;
	[tilespmem:s25+$0x0] =	vst v1;
	s25 =	rddreg [dreg:$0x3]  }
0x13f: {  	[hbm4b:s25+s26] =	stream.strided.scatter [tilespmem:s29], [sflag:$0x11], $0x1880, s30, s26, $0x38;
	[tilespmem:$0x1A080] =	vst v63  }
0x140: {  	_ =	swait.ge [sflag:s23], $0x1880  }
0x141: {  	s24 =	sadd.s32 $0x1, s24;
	s30 =	rddreg [dreg:$0x4]  }
0x142: {  	p0 =	sne.s32 s24, s30  }
.Ltmp19:
0x143: {  	_ = 	snop;
	(pc) =	sbr.rel @p0 .LBB2_1-.Ltmp19, $3  }
0x144: {  	_ =	sdelay $0x1  }
0x145: {  	[sflag:s23] =	ssyncset.done $0x0  }
0x146: {  	[sflag:s23] =	ssyncadd.s32 $0xFFFFE780  }
0x147: {  	_ =	sfence.sel $0x180000  }
0x148: {  	[bflag:$0x0] =	sbarrier.arrive $0xFFFF  }
0x149: {  	_ =	strace $0x90000047  }
0x14a: {  	s0 =	stileid.u32;
	[bflag:$0x2] =	sbarrier.arrive $0xFFFF  }
0x14b: {  	p0 =	sne.s32 s0, $0x0;
	s0 =	rddreg [dreg:$0x2]  }
0x14c: {  	s0 =	sadd.s32 @!p0 $0x100000, s0  }
0x14d: {  	[sflag:s0] =	ssyncadd.tile.s32 @!p0 $0x1;
	_ =	shalt  }
.Lfunc_end2:
_tile_overlayer_lowered:
.L_overlay_start_2:
0x14e: {  	(tag) =	ssettag $0x2  }
0x14f: {  	s0 =	rddreg [dreg:$0x0];
	s2 =	stileid.u32  }
0x150: {  	s1 =	rddreg [dreg:$0x1];
	p0 =	sne.s32 s2, $0x0  }
0x151: {  	s3 =	rddreg [dreg:$0x2];
	[bflag:$0x3] =	sbarrier.arrive $0xFFFF;
	s2 =	simm.s32 @!p0 $0x1C11  }
0x152: {  	[timem:s3], [sflag:s2] =	dma.local @!p0 [hbm:s0], s1  }
0x153: {  	s0 =	simm.s32 @!p0 $0x11  }
0x154: {  	_ =	swait.ge @!p0 [sflag:s0], s1  }
0x155: {  	s1 =	ssub.s32 @!p0 $0x0, s1;
	[sflag:s0] =	ssyncset.done @!p0 $0x0  }
0x156: {  	[sflag:s0] =	ssyncadd.s32 @!p0 s1  }
0x157: {  	[bflag:$0x3] =	sbarrier.arrive $0xFFFF  }
0x158: {  	_ =	shalt  }

</sc_bundles>
